<compile_context>
chip_gen: v7x
topology: tpu7x:2x2x1
jax: 0.10.2.dev20260603
libtpu: 0.0.44.dev20260713+nightly
codegen_flags: <defaults>
</compile_context>

<pallas_src>
import functools

import jax
import jax.numpy as jnp
from jax import lax
from jax.experimental import pallas as pl
from jax.experimental.pallas import tpu as pltpu
from jax.experimental.pallas import tpu_sc as plsc

N = 10000
E = 320000
D = 128
C = 1

_INFO = plsc.get_sparse_core_info()
_NC = _INFO.num_cores
_NS = _INFO.num_subcores
NW = _NC * _NS
_L = 16

_CH = 79 * 128
_EPW0 = 78 * 128
_T = _CH // _L
_UNROLL = 4

_MESH = plsc.VectorSubcoreMesh(core_axis_name="c", subcore_axis_name="s")
_SC_PARAMS = pltpu.CompilerParams(needs_layout_passes=False)


def _worker_id():
  return lax.axis_index("s") * _NC + lax.axis_index("c")


def _edge_range(wid):
  base = wid * _EPW0 + jnp.maximum(wid - 28, 0) * 128
  return pl.multiple_of(base, 128)


def _zero_weight_tail(w_v, wid):
  @pl.when(wid < 28)
  def _():
    z = jnp.zeros((_L,), jnp.float32)
    for u in range((_CH - _EPW0) // _L):
      w_v[pl.ds(_EPW0 + u * _L, _L)] = z


def _zero_vmem(ref, n):
  z = jnp.zeros((_L,), jnp.float32)
  assert (n // _L) % 5 == 0

  def body(j, carry):
    for u in range(5):
      ref[pl.ds((j * 5 + u) * _L, _L)] = z
    return carry

  lax.fori_loop(0, n // _L // 5, body, 0)




@functools.partial(
    pl.kernel,
    out_type=jax.ShapeDtypeStruct((NW, N), jnp.float32),
    mesh=_MESH,
    compiler_params=_SC_PARAMS,
    scratch_types=[
        pltpu.VMEM((2, _CH), jnp.int32),
        pltpu.VMEM((_CH,), jnp.float32),
        pltpu.VMEM((N,), jnp.float32),
    ],
)
def _sc_degree(ei_hbm, w_hbm, out_hbm, ei_v, w_v, acc_v):
  wid = _worker_id()
  base = _edge_range(wid)
  pltpu.sync_copy(ei_hbm.at[:, pl.ds(base, _CH)], ei_v)
  pltpu.sync_copy(w_hbm.at[pl.ds(base, _CH)], w_v)
  _zero_weight_tail(w_v, wid)
  _zero_vmem(acc_v, N)

  def body(j, carry):
    for u in range(_UNROLL):
      off = (j * _UNROLL + u) * _L
      c = ei_v[1, pl.ds(off, _L)]
      wv = w_v[pl.ds(off, _L)]
      plsc.addupdate_scatter(acc_v, [c], wv)
    return carry

  lax.fori_loop(0, _T // _UNROLL, body, 0)
  pltpu.sync_copy(acc_v, out_hbm.at[wid])




@functools.partial(
    pl.kernel,
    out_type=jax.ShapeDtypeStruct((NW, N), jnp.float32),
    mesh=_MESH,
    compiler_params=_SC_PARAMS,
    scratch_types=[
        pltpu.VMEM((2, _CH), jnp.int32),
        pltpu.VMEM((_CH,), jnp.float32),
        pltpu.VMEM((N,), jnp.float32),
        pltpu.VMEM((N,), jnp.float32),
    ],
)
def _sc_aggregate(ei_hbm, w_hbm, g_hbm, out_hbm,
                  ei_v, w_v, g_v, acc_v):
  wid = _worker_id()
  base = _edge_range(wid)
  pltpu.sync_copy(ei_hbm.at[:, pl.ds(base, _CH)], ei_v)
  pltpu.sync_copy(w_hbm.at[pl.ds(base, _CH)], w_v)
  pltpu.sync_copy(g_hbm, g_v)
  _zero_weight_tail(w_v, wid)
  _zero_vmem(acc_v, N)

  def body(j, carry):
    for u in range(_UNROLL):
      off = (j * _UNROLL + u) * _L
      r = ei_v[0, pl.ds(off, _L)]
      c = ei_v[1, pl.ds(off, _L)]
      wv = w_v[pl.ds(off, _L)]
      gv = plsc.load_gather(g_v, [r])
      plsc.addupdate_scatter(acc_v, [c], wv * gv)
    return carry

  lax.fori_loop(0, _T // _UNROLL, body, 0)
  pltpu.sync_copy(acc_v, out_hbm.at[wid])




def _tc_matvec_body(x_ref, w_ref, h_ref):
  h_ref[...] = lax.dot_general(w_ref[...], x_ref[...],
                               dimension_numbers=(((0,), (1,)), ((), ())),
                               preferred_element_type=jnp.float32)


def _tc_matvec(x, w):
  return pl.pallas_call(
      _tc_matvec_body,
      out_shape=jax.ShapeDtypeStruct((1, N), jnp.float32),
  )(x, w)




def _tc_prep_body(parts_ref, h_ref, dis_ref, g_ref):
  deg = jnp.sum(parts_ref[...], axis=0, keepdims=True) + 1.0
  dis = lax.rsqrt(deg)
  dis_ref[...] = dis
  g_ref[...] = dis * h_ref[...]


def _tc_prep(parts, h_row):
  return pl.pallas_call(
      _tc_prep_body,
      out_shape=(
          jax.ShapeDtypeStruct((1, N), jnp.float32),
          jax.ShapeDtypeStruct((1, N), jnp.float32),
      ),
  )(parts, h_row)




def _tc_final_body(parts_ref, dis_ref, g_ref, b_ref, out_ref):
  s = jnp.sum(parts_ref[...], axis=0, keepdims=True)
  out_ref[...] = dis_ref[...] * (s + g_ref[...]) + b_ref[0, 0]


def _tc_final(parts, dis, g, b):
  return pl.pallas_call(
      _tc_final_body,
      out_shape=jax.ShapeDtypeStruct((1, N), jnp.float32),
  )(parts, dis, g, b.reshape(1, 1))


def kernel(x, edge_index, edge_weights, W, b):
  deg_parts = _sc_degree(edge_index, edge_weights)
  h_row = _tc_matvec(x, W)
  dis, g = _tc_prep(deg_parts, h_row)
  s_parts = _sc_aggregate(edge_index, edge_weights, g.reshape(N))
  out = _tc_final(s_parts, dis, g, b)
  return out.reshape(N, C)

# --- scband reference (transcript-rebuilt; emitter-appended) ---
"""Pipeline reference for scband-simplest-gcnregress-66675072303276 (READ-ONLY COPY).

The authoritative reference and input builder live on the scoring server;
editing this copy changes nothing except your own understanding.
"""

import jax, jax.numpy as jnp
import numpy as np

N = 10000
E = 320000
D = 128
C = 1

def setup_inputs(seed: int = 0) -> dict:
    key = jax.random.key(seed)
    k1, k2, k3, k4, k5 = jax.random.split(key, 5)
    x = jax.random.normal(k1, (N, D), dtype=jnp.float32)
    edge_index = jax.random.randint(k2, (2, E), 0, N, dtype=jnp.int32)
    edge_weights = jax.random.uniform(k3, (E,), dtype=jnp.float32)
    # GCNConv params: Linear(D, C) without bias applied pre-aggregation, plus additive bias
    W = jax.random.normal(k4, (D, C), dtype=jnp.float32) * (1.0 / np.sqrt(D))
    b = jnp.zeros((C,), dtype=jnp.float32)
    return {"x": x, "edge_index": edge_index, "edge_weights": edge_weights, "W": W, "b": b}

def reference(x, edge_index, edge_weights, W, b):
    # Faithful GCNConv (PyG): add self-loops (weight 1), symmetric normalization,
    # linear transform, weighted sum aggregation at dst, then bias.
    row = edge_index[0]
    col = edge_index[1]
    loop = jnp.arange(N, dtype=edge_index.dtype)
    row_f = jnp.concatenate([row, loop], axis=0)
    col_f = jnp.concatenate([col, loop], axis=0)
    w_f = jnp.concatenate([edge_weights, jnp.ones((N,), dtype=edge_weights.dtype)], axis=0)
    # degree computed at dst (col) from edge weights incl. self-loops
    deg = jnp.zeros((N,), dtype=jnp.float32).at[col_f].add(w_f)
    deg_inv_sqrt = jnp.where(deg > 0, jax.lax.rsqrt(jnp.maximum(deg, 1e-12)), 0.0)
    norm = deg_inv_sqrt[row_f] * w_f * deg_inv_sqrt[col_f]
    h = x @ W  # [N, C]
    msg = h[row_f] * norm[:, None]  # gather at src, scale
    out = jnp.zeros((N, C), dtype=jnp.float32).at[col_f].add(msg)  # scatter-add at dst
    return out + b

if __name__ == "__main__":
    import jax
    _d = setup_inputs()
    print(jax.jit(kernel)(*tuple(_d.values())))

</pallas_src>

<mosaic_0001>
#map = affine_map<(d0, d1) -> (0, 0)>
#map1 = affine_map<(d0, d1) -> (0)>
module attributes {stable_mosaic.version = 14 : i64} {
  func.func @_sc_aggregate(%arg0: i32, %arg1: i32, %arg2: memref<2x320000xi32, #tpu.memory_space<hbm>>, %arg3: memref<320000xf32, #tpu.memory_space<hbm>>, %arg4: memref<10000xf32, #tpu.memory_space<hbm>>, %arg5: memref<32x10000xf32, #tpu.memory_space<hbm>>, %arg6: memref<2x10112xi32, #tpu.memory_space<vmem>>, %arg7: memref<10112xf32, #tpu.memory_space<vmem>>, %arg8: memref<10000xf32, #tpu.memory_space<vmem>>, %arg9: memref<10000xf32, #tpu.memory_space<vmem>>) attributes {dimension_semantics = [#tpu.dimension_semantics<core_parallel>, #tpu.dimension_semantics<subcore_parallel>], iteration_bounds = array<i64: 2, 16>, scalar_prefetch = 0 : i64, scratch_operands = 4 : i64, tpu.core_type = #tpu.core_type<sc_vector_subcore>, window_params = [{transform_indices = #map}, {transform_indices = #map1}, {transform_indices = #map1}, {transform_indices = #map}]} {
    %mul3A = arith.constant 2 : i32
    %mul3A_0 = arith.muli %arg1, %mul3A : i32
    %add3A = arith.addi %mul3A_0, %arg0 : i32
    %mul3A_1 = arith.constant 9984 : i32
    %mul3A_2 = arith.muli %add3A, %mul3A_1 : i32
    %sub3A = arith.constant 28 : i32
    %sub3A_3 = arith.subi %add3A, %sub3A : i32
    %max3A = arith.constant 0 : i32
    %max3A_4 = arith.maxsi %sub3A_3, %max3A : i32
    %mul3A_5 = arith.constant 128 : i32
    %mul3A_6 = arith.muli %max3A_4, %mul3A_5 : i32
    %add3A_7 = arith.addi %mul3A_2, %mul3A_6 : i32
    %multiple_of3A = tpu.assume_multiple %add3A_7, 128 : i32
    "tpu.region"() ({
      %run_scoped3A = tpu.sem_alloc : memref<!tpu.dma_semaphore, #tpu.memory_space<semaphore_mem>>
      %dma_start3A = arith.constant 0 : i32
      %dma_start3A_22 = tpu.memref_slice %arg2[%dma_start3A, %multiple_of3A] : memref<2x320000xi32, #tpu.memory_space<hbm>> -> memref<2x10112xi32, #tpu.memory_space<hbm>>
      %dma_start3A_23 = arith.constant 0 : i32
      %dma_start3A_24 = tpu.memref_slice %arg2[%dma_start3A_23, %multiple_of3A] : memref<2x320000xi32, #tpu.memory_space<hbm>> -> memref<2x10112xi32, #tpu.memory_space<hbm>>
      tpu.enqueue_dma source(%dma_start3A_24 : memref<2x10112xi32, #tpu.memory_space<hbm>>) target(%arg6 : memref<2x10112xi32, #tpu.memory_space<vmem>>) target_semaphore(%run_scoped3A : memref<!tpu.dma_semaphore, #tpu.memory_space<semaphore_mem>>)
      %dma_wait3A = arith.constant 0 : i32
      %dma_wait3A_25 = tpu.memref_slice %arg2[%dma_wait3A, %multiple_of3A] : memref<2x320000xi32, #tpu.memory_space<hbm>> -> memref<2x10112xi32, #tpu.memory_space<hbm>>
      %dma_wait3A_26 = arith.constant 0 : i32
      %dma_wait3A_27 = tpu.memref_slice %arg2[%dma_wait3A_26, %multiple_of3A] : memref<2x320000xi32, #tpu.memory_space<hbm>> -> memref<2x10112xi32, #tpu.memory_space<hbm>>
      tpu.wait_dma2 semaphore(%run_scoped3A : memref<!tpu.dma_semaphore, #tpu.memory_space<semaphore_mem>>) src(%dma_wait3A_27 : memref<2x10112xi32, #tpu.memory_space<hbm>>) dst(%arg6 : memref<2x10112xi32, #tpu.memory_space<vmem>>)
      tpu.yield
    }) : () -> ()
    "tpu.region"() ({
      %run_scoped3A = tpu.sem_alloc : memref<!tpu.dma_semaphore, #tpu.memory_space<semaphore_mem>>
      %dma_start3A = tpu.memref_slice %arg3[%multiple_of3A] : memref<320000xf32, #tpu.memory_space<hbm>> -> memref<10112xf32, #tpu.memory_space<hbm>>
      %dma_start3A_22 = tpu.memref_slice %arg3[%multiple_of3A] : memref<320000xf32, #tpu.memory_space<hbm>> -> memref<10112xf32, #tpu.memory_space<hbm>>
      tpu.enqueue_dma source(%dma_start3A_22 : memref<10112xf32, #tpu.memory_space<hbm>>) target(%arg7 : memref<10112xf32, #tpu.memory_space<vmem>>) target_semaphore(%run_scoped3A : memref<!tpu.dma_semaphore, #tpu.memory_space<semaphore_mem>>)
      %dma_wait3A = tpu.memref_slice %arg3[%multiple_of3A] : memref<320000xf32, #tpu.memory_space<hbm>> -> memref<10112xf32, #tpu.memory_space<hbm>>
      %dma_wait3A_23 = tpu.memref_slice %arg3[%multiple_of3A] : memref<320000xf32, #tpu.memory_space<hbm>> -> memref<10112xf32, #tpu.memory_space<hbm>>
      tpu.wait_dma2 semaphore(%run_scoped3A : memref<!tpu.dma_semaphore, #tpu.memory_space<semaphore_mem>>) src(%dma_wait3A_23 : memref<10112xf32, #tpu.memory_space<hbm>>) dst(%arg7 : memref<10112xf32, #tpu.memory_space<vmem>>)
      tpu.yield
    }) : () -> ()
    "tpu.region"() ({
      %run_scoped3A = tpu.sem_alloc : memref<!tpu.dma_semaphore, #tpu.memory_space<semaphore_mem>>
      tpu.enqueue_dma source(%arg4 : memref<10000xf32, #tpu.memory_space<hbm>>) target(%arg8 : memref<10000xf32, #tpu.memory_space<vmem>>) target_semaphore(%run_scoped3A : memref<!tpu.dma_semaphore, #tpu.memory_space<semaphore_mem>>)
      tpu.wait_dma2 semaphore(%run_scoped3A : memref<!tpu.dma_semaphore, #tpu.memory_space<semaphore_mem>>) src(%arg4 : memref<10000xf32, #tpu.memory_space<hbm>>) dst(%arg8 : memref<10000xf32, #tpu.memory_space<vmem>>)
      tpu.yield
    }) : () -> ()
    %lt3A = arith.constant 28 : i32
    %lt3A_8 = arith.cmpi slt, %add3A, %lt3A : i32
    %convert_element_type3A = arith.extui %lt3A_8 : i1 to i32
    %cond3A = arith.constant 0 : i32
    %cond3A_9 = arith.cmpi ne, %convert_element_type3A, %cond3A : i32
    scf.if %cond3A_9 {
      %broadcast_in_dim3A_22 = arith.constant 0.000000e+00 : f32
      %broadcast_in_dim3A_23 = vector.broadcast %broadcast_in_dim3A_22 : f32 to vector<16xf32>
      %swap3A = arith.constant 9984 : index
      %swap3A_24 = tpu.vector_load %arg7[%swap3A] {strides = array<i32>} : memref<10112xf32, #tpu.memory_space<vmem>>, vector<16xf32>,
      tpu.vector_store %arg7[%swap3A], %broadcast_in_dim3A_23 {strides = array<i32>} : memref<10112xf32, #tpu.memory_space<vmem>>, vector<16xf32>,
      %swap3A_25 = arith.constant 10000 : index
      %swap3A_26 = tpu.vector_load %arg7[%swap3A_25] {strides = array<i32>} : memref<10112xf32, #tpu.memory_space<vmem>>, vector<16xf32>,
      tpu.vector_store %arg7[%swap3A_25], %broadcast_in_dim3A_23 {strides = array<i32>} : memref<10112xf32, #tpu.memory_space<vmem>>, vector<16xf32>,
      %swap3A_27 = arith.constant 10016 : index
      %swap3A_28 = tpu.vector_load %arg7[%swap3A_27] {strides = array<i32>} : memref<10112xf32, #tpu.memory_space<vmem>>, vector<16xf32>,
      tpu.vector_store %arg7[%swap3A_27], %broadcast_in_dim3A_23 {strides = array<i32>} : memref<10112xf32, #tpu.memory_space<vmem>>, vector<16xf32>,
      %swap3A_29 = arith.constant 10032 : index
      %swap3A_30 = tpu.vector_load %arg7[%swap3A_29] {strides = array<i32>} : memref<10112xf32, #tpu.memory_space<vmem>>, vector<16xf32>,
      tpu.vector_store %arg7[%swap3A_29], %broadcast_in_dim3A_23 {strides = array<i32>} : memref<10112xf32, #tpu.memory_space<vmem>>, vector<16xf32>,
      %swap3A_31 = arith.constant 10048 : index
      %swap3A_32 = tpu.vector_load %arg7[%swap3A_31] {strides = array<i32>} : memref<10112xf32, #tpu.memory_space<vmem>>, vector<16xf32>,
      tpu.vector_store %arg7[%swap3A_31], %broadcast_in_dim3A_23 {strides = array<i32>} : memref<10112xf32, #tpu.memory_space<vmem>>, vector<16xf32>,
      %swap3A_33 = arith.constant 10064 : index
      %swap3A_34 = tpu.vector_load %arg7[%swap3A_33] {strides = array<i32>} : memref<10112xf32, #tpu.memory_space<vmem>>, vector<16xf32>,
      tpu.vector_store %arg7[%swap3A_33], %broadcast_in_dim3A_23 {strides = array<i32>} : memref<10112xf32, #tpu.memory_space<vmem>>, vector<16xf32>,
      %swap3A_35 = arith.constant 10080 : index
      %swap3A_36 = tpu.vector_load %arg7[%swap3A_35] {strides = array<i32>} : memref<10112xf32, #tpu.memory_space<vmem>>, vector<16xf32>,
      tpu.vector_store %arg7[%swap3A_35], %broadcast_in_dim3A_23 {strides = array<i32>} : memref<10112xf32, #tpu.memory_space<vmem>>, vector<16xf32>,
      %swap3A_37 = arith.constant 10096 : index
      %swap3A_38 = tpu.vector_load %arg7[%swap3A_37] {strides = array<i32>} : memref<10112xf32, #tpu.memory_space<vmem>>, vector<16xf32>,
      tpu.vector_store %arg7[%swap3A_37], %broadcast_in_dim3A_23 {strides = array<i32>} : memref<10112xf32, #tpu.memory_space<vmem>>, vector<16xf32>,
    } else {
    }
    %broadcast_in_dim3A = arith.constant 0.000000e+00 : f32
    %broadcast_in_dim3A_10 = vector.broadcast %broadcast_in_dim3A : f32 to vector<16xf32>
    %scan3A = arith.constant 0 : i32
    %scan3A_11 = arith.constant 0 : i32
    %scan3A_12 = arith.constant 125 : i32
    %scan3A_13 = arith.addi %scan3A_11, %scan3A_12 : i32
    %scan3A_14 = arith.constant 1 : i32
    scf.for %scan3A_22 = %scan3A_11 to %scan3A_13 step %scan3A_14  : i32 {
      %mul3A_23 = arith.constant 5 : i32
      %mul3A_24 = arith.muli %scan3A_22, %mul3A_23 : i32
      %add3A_25 = arith.constant 0 : i32
      %add3A_26 = arith.addi %mul3A_24, %add3A_25 : i32
      %mul3A_27 = arith.constant 16 : i32
      %mul3A_28 = arith.muli %add3A_26, %mul3A_27 : i32
      %swap3A = arith.index_cast %mul3A_28 : i32 to index
      %swap3A_29 = tpu.vector_load %arg9[%swap3A] {strides = array<i32>} : memref<10000xf32, #tpu.memory_space<vmem>>, vector<16xf32>,
      tpu.vector_store %arg9[%swap3A], %broadcast_in_dim3A_10 {strides = array<i32>} : memref<10000xf32, #tpu.memory_space<vmem>>, vector<16xf32>,
      %mul3A_30 = arith.constant 5 : i32
      %mul3A_31 = arith.muli %scan3A_22, %mul3A_30 : i32
      %add3A_32 = arith.constant 1 : i32
      %add3A_33 = arith.addi %mul3A_31, %add3A_32 : i32
      %mul3A_34 = arith.constant 16 : i32
      %mul3A_35 = arith.muli %add3A_33, %mul3A_34 : i32
      %swap3A_36 = arith.index_cast %mul3A_35 : i32 to index
      %swap3A_37 = tpu.vector_load %arg9[%swap3A_36] {strides = array<i32>} : memref<10000xf32, #tpu.memory_space<vmem>>, vector<16xf32>,
      tpu.vector_store %arg9[%swap3A_36], %broadcast_in_dim3A_10 {strides = array<i32>} : memref<10000xf32, #tpu.memory_space<vmem>>, vector<16xf32>,
      %mul3A_38 = arith.constant 5 : i32
      %mul3A_39 = arith.muli %scan3A_22, %mul3A_38 : i32
      %add3A_40 = arith.constant 2 : i32
      %add3A_41 = arith.addi %mul3A_39, %add3A_40 : i32
      %mul3A_42 = arith.constant 16 : i32
      %mul3A_43 = arith.muli %add3A_41, %mul3A_42 : i32
      %swap3A_44 = arith.index_cast %mul3A_43 : i32 to index
      %swap3A_45 = tpu.vector_load %arg9[%swap3A_44] {strides = array<i32>} : memref<10000xf32, #tpu.memory_space<vmem>>, vector<16xf32>,
      tpu.vector_store %arg9[%swap3A_44], %broadcast_in_dim3A_10 {strides = array<i32>} : memref<10000xf32, #tpu.memory_space<vmem>>, vector<16xf32>,
      %mul3A_46 = arith.constant 5 : i32
      %mul3A_47 = arith.muli %scan3A_22, %mul3A_46 : i32
      %add3A_48 = arith.constant 3 : i32
      %add3A_49 = arith.addi %mul3A_47, %add3A_48 : i32
      %mul3A_50 = arith.constant 16 : i32
      %mul3A_51 = arith.muli %add3A_49, %mul3A_50 : i32
      %swap3A_52 = arith.index_cast %mul3A_51 : i32 to index
      %swap3A_53 = tpu.vector_load %arg9[%swap3A_52] {strides = array<i32>} : memref<10000xf32, #tpu.memory_space<vmem>>, vector<16xf32>,
      tpu.vector_store %arg9[%swap3A_52], %broadcast_in_dim3A_10 {strides = array<i32>} : memref<10000xf32, #tpu.memory_space<vmem>>, vector<16xf32>,
      %mul3A_54 = arith.constant 5 : i32
      %mul3A_55 = arith.muli %scan3A_22, %mul3A_54 : i32
      %add3A_56 = arith.constant 4 : i32
      %add3A_57 = arith.addi %mul3A_55, %add3A_56 : i32
      %mul3A_58 = arith.constant 16 : i32
      %mul3A_59 = arith.muli %add3A_57, %mul3A_58 : i32
      %swap3A_60 = arith.index_cast %mul3A_59 : i32 to index
      %swap3A_61 = tpu.vector_load %arg9[%swap3A_60] {strides = array<i32>} : memref<10000xf32, #tpu.memory_space<vmem>>, vector<16xf32>,
      tpu.vector_store %arg9[%swap3A_60], %broadcast_in_dim3A_10 {strides = array<i32>} : memref<10000xf32, #tpu.memory_space<vmem>>, vector<16xf32>,
    }
    %scan3A_15 = arith.constant 125 : i32
    %scan3A_16 = arith.constant 0 : i32
    %scan3A_17 = arith.constant 0 : i32
    %scan3A_18 = arith.constant 158 : i32
    %scan3A_19 = arith.addi %scan3A_17, %scan3A_18 : i32
    %scan3A_20 = arith.constant 1 : i32
    scf.for %scan3A_22 = %scan3A_17 to %scan3A_19 step %scan3A_20  : i32 {
      %mul3A_23 = arith.constant 4 : i32
      %mul3A_24 = arith.muli %scan3A_22, %mul3A_23 : i32
      %add3A_25 = arith.constant 0 : i32
      %add3A_26 = arith.addi %mul3A_24, %add3A_25 : i32
      %mul3A_27 = arith.constant 16 : i32
      %mul3A_28 = arith.muli %add3A_26, %mul3A_27 : i32
      %get3A = arith.constant 0 : i32
      %get3A_29 = arith.index_cast %get3A : i32 to index
      %get3A_30 = arith.index_cast %mul3A_28 : i32 to index
      %get3A_31 = tpu.vector_load %arg6[%get3A_29, %get3A_30] {strides = array<i32>} : memref<2x10112xi32, #tpu.memory_space<vmem>>, vector<16xi32>,
      %get3A_32 = arith.constant 1 : i32
      %get3A_33 = arith.index_cast %get3A_32 : i32 to index
      %get3A_34 = arith.index_cast %mul3A_28 : i32 to index
      %get3A_35 = tpu.vector_load %arg6[%get3A_33, %get3A_34] {strides = array<i32>} : memref<2x10112xi32, #tpu.memory_space<vmem>>, vector<16xi32>,
      %get3A_36 = arith.index_cast %mul3A_28 : i32 to index
      %get3A_37 = tpu.vector_load %arg7[%get3A_36] {strides = array<i32>} : memref<10112xf32, #tpu.memory_space<vmem>>, vector<16xf32>,
      %gather3A = tpu.vector_load_idx %arg8[%get3A_31] : memref<10000xf32, #tpu.memory_space<vmem>>[vector<16xi32>], vector<16xf32>,
      %mul3A_38 = arith.mulf %get3A_37, %gather3A : vector<16xf32>
      tpu.vector_store_idx %arg9[%get3A_35], %mul3A_38 {add = true} : memref<10000xf32, #tpu.memory_space<vmem>>[vector<16xi32>], vector<16xf32>,
      %mul3A_39 = arith.constant 4 : i32
      %mul3A_40 = arith.muli %scan3A_22, %mul3A_39 : i32
      %add3A_41 = arith.constant 1 : i32
      %add3A_42 = arith.addi %mul3A_40, %add3A_41 : i32
      %mul3A_43 = arith.constant 16 : i32
      %mul3A_44 = arith.muli %add3A_42, %mul3A_43 : i32
      %get3A_45 = arith.constant 0 : i32
      %get3A_46 = arith.index_cast %get3A_45 : i32 to index
      %get3A_47 = arith.index_cast %mul3A_44 : i32 to index
      %get3A_48 = tpu.vector_load %arg6[%get3A_46, %get3A_47] {strides = array<i32>} : memref<2x10112xi32, #tpu.memory_space<vmem>>, vector<16xi32>,
      %get3A_49 = arith.constant 1 : i32
      %get3A_50 = arith.index_cast %get3A_49 : i32 to index
      %get3A_51 = arith.index_cast %mul3A_44 : i32 to index
      %get3A_52 = tpu.vector_load %arg6[%get3A_50, %get3A_51] {strides = array<i32>} : memref<2x10112xi32, #tpu.memory_space<vmem>>, vector<16xi32>,
      %get3A_53 = arith.index_cast %mul3A_44 : i32 to index
      %get3A_54 = tpu.vector_load %arg7[%get3A_53] {strides = array<i32>} : memref<10112xf32, #tpu.memory_space<vmem>>, vector<16xf32>,
      %gather3A_55 = tpu.vector_load_idx %arg8[%get3A_48] : memref<10000xf32, #tpu.memory_space<vmem>>[vector<16xi32>], vector<16xf32>,
      %mul3A_56 = arith.mulf %get3A_54, %gather3A_55 : vector<16xf32>
      tpu.vector_store_idx %arg9[%get3A_52], %mul3A_56 {add = true} : memref<10000xf32, #tpu.memory_space<vmem>>[vector<16xi32>], vector<16xf32>,
      %mul3A_57 = arith.constant 4 : i32
      %mul3A_58 = arith.muli %scan3A_22, %mul3A_57 : i32
      %add3A_59 = arith.constant 2 : i32
      %add3A_60 = arith.addi %mul3A_58, %add3A_59 : i32
      %mul3A_61 = arith.constant 16 : i32
      %mul3A_62 = arith.muli %add3A_60, %mul3A_61 : i32
      %get3A_63 = arith.constant 0 : i32
      %get3A_64 = arith.index_cast %get3A_63 : i32 to index
      %get3A_65 = arith.index_cast %mul3A_62 : i32 to index
      %get3A_66 = tpu.vector_load %arg6[%get3A_64, %get3A_65] {strides = array<i32>} : memref<2x10112xi32, #tpu.memory_space<vmem>>, vector<16xi32>,
      %get3A_67 = arith.constant 1 : i32
      %get3A_68 = arith.index_cast %get3A_67 : i32 to index
      %get3A_69 = arith.index_cast %mul3A_62 : i32 to index
      %get3A_70 = tpu.vector_load %arg6[%get3A_68, %get3A_69] {strides = array<i32>} : memref<2x10112xi32, #tpu.memory_space<vmem>>, vector<16xi32>,
      %get3A_71 = arith.index_cast %mul3A_62 : i32 to index
      %get3A_72 = tpu.vector_load %arg7[%get3A_71] {strides = array<i32>} : memref<10112xf32, #tpu.memory_space<vmem>>, vector<16xf32>,
      %gather3A_73 = tpu.vector_load_idx %arg8[%get3A_66] : memref<10000xf32, #tpu.memory_space<vmem>>[vector<16xi32>], vector<16xf32>,
      %mul3A_74 = arith.mulf %get3A_72, %gather3A_73 : vector<16xf32>
      tpu.vector_store_idx %arg9[%get3A_70], %mul3A_74 {add = true} : memref<10000xf32, #tpu.memory_space<vmem>>[vector<16xi32>], vector<16xf32>,
      %mul3A_75 = arith.constant 4 : i32
      %mul3A_76 = arith.muli %scan3A_22, %mul3A_75 : i32
      %add3A_77 = arith.constant 3 : i32
      %add3A_78 = arith.addi %mul3A_76, %add3A_77 : i32
      %mul3A_79 = arith.constant 16 : i32
      %mul3A_80 = arith.muli %add3A_78, %mul3A_79 : i32
      %get3A_81 = arith.constant 0 : i32
      %get3A_82 = arith.index_cast %get3A_81 : i32 to index
      %get3A_83 = arith.index_cast %mul3A_80 : i32 to index
      %get3A_84 = tpu.vector_load %arg6[%get3A_82, %get3A_83] {strides = array<i32>} : memref<2x10112xi32, #tpu.memory_space<vmem>>, vector<16xi32>,
      %get3A_85 = arith.constant 1 : i32
      %get3A_86 = arith.index_cast %get3A_85 : i32 to index
      %get3A_87 = arith.index_cast %mul3A_80 : i32 to index
      %get3A_88 = tpu.vector_load %arg6[%get3A_86, %get3A_87] {strides = array<i32>} : memref<2x10112xi32, #tpu.memory_space<vmem>>, vector<16xi32>,
      %get3A_89 = arith.index_cast %mul3A_80 : i32 to index
      %get3A_90 = tpu.vector_load %arg7[%get3A_89] {strides = array<i32>} : memref<10112xf32, #tpu.memory_space<vmem>>, vector<16xf32>,
      %gather3A_91 = tpu.vector_load_idx %arg8[%get3A_84] : memref<10000xf32, #tpu.memory_space<vmem>>[vector<16xi32>], vector<16xf32>,
      %mul3A_92 = arith.mulf %get3A_90, %gather3A_91 : vector<16xf32>
      tpu.vector_store_idx %arg9[%get3A_88], %mul3A_92 {add = true} : memref<10000xf32, #tpu.memory_space<vmem>>[vector<16xi32>], vector<16xf32>,
    }
    %scan3A_21 = arith.constant 158 : i32
    "tpu.region"() ({
      %run_scoped3A = tpu.sem_alloc : memref<!tpu.dma_semaphore, #tpu.memory_space<semaphore_mem>>
      %dma_start3A = arith.constant 0 : i32
      %dma_start3A_22 = tpu.memref_slice %arg5[%add3A, %dma_start3A] : memref<32x10000xf32, #tpu.memory_space<hbm>> -> memref<1x10000xf32, #tpu.memory_space<hbm>>
      %dma_start3A_23 = tpu.memref_squeeze %dma_start3A_22 : memref<1x10000xf32, #tpu.memory_space<hbm>> -> memref<10000xf32, #tpu.memory_space<hbm>>
      %dma_start3A_24 = arith.constant 0 : i32
      %dma_start3A_25 = tpu.memref_slice %arg5[%add3A, %dma_start3A_24] : memref<32x10000xf32, #tpu.memory_space<hbm>> -> memref<1x10000xf32, #tpu.memory_space<hbm>>
      %dma_start3A_26 = tpu.memref_squeeze %dma_start3A_25 : memref<1x10000xf32, #tpu.memory_space<hbm>> -> memref<10000xf32, #tpu.memory_space<hbm>>
      tpu.enqueue_dma source(%arg9 : memref<10000xf32, #tpu.memory_space<vmem>>) target(%dma_start3A_26 : memref<10000xf32, #tpu.memory_space<hbm>>) target_semaphore(%run_scoped3A : memref<!tpu.dma_semaphore, #tpu.memory_space<semaphore_mem>>)
      %dma_wait3A = arith.constant 0 : i32
      %dma_wait3A_27 = tpu.memref_slice %arg5[%add3A, %dma_wait3A] : memref<32x10000xf32, #tpu.memory_space<hbm>> -> memref<1x10000xf32, #tpu.memory_space<hbm>>
      %dma_wait3A_28 = tpu.memref_squeeze %dma_wait3A_27 : memref<1x10000xf32, #tpu.memory_space<hbm>> -> memref<10000xf32, #tpu.memory_space<hbm>>
      %dma_wait3A_29 = arith.constant 0 : i32
      %dma_wait3A_30 = tpu.memref_slice %arg5[%add3A, %dma_wait3A_29] : memref<32x10000xf32, #tpu.memory_space<hbm>> -> memref<1x10000xf32, #tpu.memory_space<hbm>>
      %dma_wait3A_31 = tpu.memref_squeeze %dma_wait3A_30 : memref<1x10000xf32, #tpu.memory_space<hbm>> -> memref<10000xf32, #tpu.memory_space<hbm>>
      tpu.wait_dma2 semaphore(%run_scoped3A : memref<!tpu.dma_semaphore, #tpu.memory_space<semaphore_mem>>) src(%arg9 : memref<10000xf32, #tpu.memory_space<vmem>>) dst(%dma_wait3A_31 : memref<10000xf32, #tpu.memory_space<hbm>>)
      tpu.yield
    }) : () -> ()
    return
  }
}

#map = affine_map<(d0, d1) -> (0, 0)>
#map1 = affine_map<(d0, d1) -> (0)>
module attributes {stable_mosaic.version = 14 : i64} {
  func.func @_sc_degree(%arg0: i32, %arg1: i32, %arg2: memref<2x320000xi32, #tpu.memory_space<hbm>>, %arg3: memref<320000xf32, #tpu.memory_space<hbm>>, %arg4: memref<32x10000xf32, #tpu.memory_space<hbm>>, %arg5: memref<2x10112xi32, #tpu.memory_space<vmem>>, %arg6: memref<10112xf32, #tpu.memory_space<vmem>>, %arg7: memref<10000xf32, #tpu.memory_space<vmem>>) attributes {dimension_semantics = [#tpu.dimension_semantics<core_parallel>, #tpu.dimension_semantics<subcore_parallel>], iteration_bounds = array<i64: 2, 16>, scalar_prefetch = 0 : i64, scratch_operands = 3 : i64, tpu.core_type = #tpu.core_type<sc_vector_subcore>, window_params = [{transform_indices = #map}, {transform_indices = #map1}, {transform_indices = #map}]} {
    %mul3A = arith.constant 2 : i32
    %mul3A_0 = arith.muli %arg1, %mul3A : i32
    %add3A = arith.addi %mul3A_0, %arg0 : i32
    %mul3A_1 = arith.constant 9984 : i32
    %mul3A_2 = arith.muli %add3A, %mul3A_1 : i32
    %sub3A = arith.constant 28 : i32
    %sub3A_3 = arith.subi %add3A, %sub3A : i32
    %max3A = arith.constant 0 : i32
    %max3A_4 = arith.maxsi %sub3A_3, %max3A : i32
    %mul3A_5 = arith.constant 128 : i32
    %mul3A_6 = arith.muli %max3A_4, %mul3A_5 : i32
    %add3A_7 = arith.addi %mul3A_2, %mul3A_6 : i32
    %multiple_of3A = tpu.assume_multiple %add3A_7, 128 : i32
    "tpu.region"() ({
      %run_scoped3A = tpu.sem_alloc : memref<!tpu.dma_semaphore, #tpu.memory_space<semaphore_mem>>
      %dma_start3A = arith.constant 0 : i32
      %dma_start3A_22 = tpu.memref_slice %arg2[%dma_start3A, %multiple_of3A] : memref<2x320000xi32, #tpu.memory_space<hbm>> -> memref<2x10112xi32, #tpu.memory_space<hbm>>
      %dma_start3A_23 = arith.constant 0 : i32
      %dma_start3A_24 = tpu.memref_slice %arg2[%dma_start3A_23, %multiple_of3A] : memref<2x320000xi32, #tpu.memory_space<hbm>> -> memref<2x10112xi32, #tpu.memory_space<hbm>>
      tpu.enqueue_dma source(%dma_start3A_24 : memref<2x10112xi32, #tpu.memory_space<hbm>>) target(%arg5 : memref<2x10112xi32, #tpu.memory_space<vmem>>) target_semaphore(%run_scoped3A : memref<!tpu.dma_semaphore, #tpu.memory_space<semaphore_mem>>)
      %dma_wait3A = arith.constant 0 : i32
      %dma_wait3A_25 = tpu.memref_slice %arg2[%dma_wait3A, %multiple_of3A] : memref<2x320000xi32, #tpu.memory_space<hbm>> -> memref<2x10112xi32, #tpu.memory_space<hbm>>
      %dma_wait3A_26 = arith.constant 0 : i32
      %dma_wait3A_27 = tpu.memref_slice %arg2[%dma_wait3A_26, %multiple_of3A] : memref<2x320000xi32, #tpu.memory_space<hbm>> -> memref<2x10112xi32, #tpu.memory_space<hbm>>
      tpu.wait_dma2 semaphore(%run_scoped3A : memref<!tpu.dma_semaphore, #tpu.memory_space<semaphore_mem>>) src(%dma_wait3A_27 : memref<2x10112xi32, #tpu.memory_space<hbm>>) dst(%arg5 : memref<2x10112xi32, #tpu.memory_space<vmem>>)
      tpu.yield
    }) : () -> ()
    "tpu.region"() ({
      %run_scoped3A = tpu.sem_alloc : memref<!tpu.dma_semaphore, #tpu.memory_space<semaphore_mem>>
      %dma_start3A = tpu.memref_slice %arg3[%multiple_of3A] : memref<320000xf32, #tpu.memory_space<hbm>> -> memref<10112xf32, #tpu.memory_space<hbm>>
      %dma_start3A_22 = tpu.memref_slice %arg3[%multiple_of3A] : memref<320000xf32, #tpu.memory_space<hbm>> -> memref<10112xf32, #tpu.memory_space<hbm>>
      tpu.enqueue_dma source(%dma_start3A_22 : memref<10112xf32, #tpu.memory_space<hbm>>) target(%arg6 : memref<10112xf32, #tpu.memory_space<vmem>>) target_semaphore(%run_scoped3A : memref<!tpu.dma_semaphore, #tpu.memory_space<semaphore_mem>>)
      %dma_wait3A = tpu.memref_slice %arg3[%multiple_of3A] : memref<320000xf32, #tpu.memory_space<hbm>> -> memref<10112xf32, #tpu.memory_space<hbm>>
      %dma_wait3A_23 = tpu.memref_slice %arg3[%multiple_of3A] : memref<320000xf32, #tpu.memory_space<hbm>> -> memref<10112xf32, #tpu.memory_space<hbm>>
      tpu.wait_dma2 semaphore(%run_scoped3A : memref<!tpu.dma_semaphore, #tpu.memory_space<semaphore_mem>>) src(%dma_wait3A_23 : memref<10112xf32, #tpu.memory_space<hbm>>) dst(%arg6 : memref<10112xf32, #tpu.memory_space<vmem>>)
      tpu.yield
    }) : () -> ()
    %lt3A = arith.constant 28 : i32
    %lt3A_8 = arith.cmpi slt, %add3A, %lt3A : i32
    %convert_element_type3A = arith.extui %lt3A_8 : i1 to i32
    %cond3A = arith.constant 0 : i32
    %cond3A_9 = arith.cmpi ne, %convert_element_type3A, %cond3A : i32
    scf.if %cond3A_9 {
      %broadcast_in_dim3A_22 = arith.constant 0.000000e+00 : f32
      %broadcast_in_dim3A_23 = vector.broadcast %broadcast_in_dim3A_22 : f32 to vector<16xf32>
      %swap3A = arith.constant 9984 : index
      %swap3A_24 = tpu.vector_load %arg6[%swap3A] {strides = array<i32>} : memref<10112xf32, #tpu.memory_space<vmem>>, vector<16xf32>,
      tpu.vector_store %arg6[%swap3A], %broadcast_in_dim3A_23 {strides = array<i32>} : memref<10112xf32, #tpu.memory_space<vmem>>, vector<16xf32>,
      %swap3A_25 = arith.constant 10000 : index
      %swap3A_26 = tpu.vector_load %arg6[%swap3A_25] {strides = array<i32>} : memref<10112xf32, #tpu.memory_space<vmem>>, vector<16xf32>,
      tpu.vector_store %arg6[%swap3A_25], %broadcast_in_dim3A_23 {strides = array<i32>} : memref<10112xf32, #tpu.memory_space<vmem>>, vector<16xf32>,
      %swap3A_27 = arith.constant 10016 : index
      %swap3A_28 = tpu.vector_load %arg6[%swap3A_27] {strides = array<i32>} : memref<10112xf32, #tpu.memory_space<vmem>>, vector<16xf32>,
      tpu.vector_store %arg6[%swap3A_27], %broadcast_in_dim3A_23 {strides = array<i32>} : memref<10112xf32, #tpu.memory_space<vmem>>, vector<16xf32>,
      %swap3A_29 = arith.constant 10032 : index
      %swap3A_30 = tpu.vector_load %arg6[%swap3A_29] {strides = array<i32>} : memref<10112xf32, #tpu.memory_space<vmem>>, vector<16xf32>,
      tpu.vector_store %arg6[%swap3A_29], %broadcast_in_dim3A_23 {strides = array<i32>} : memref<10112xf32, #tpu.memory_space<vmem>>, vector<16xf32>,
      %swap3A_31 = arith.constant 10048 : index
      %swap3A_32 = tpu.vector_load %arg6[%swap3A_31] {strides = array<i32>} : memref<10112xf32, #tpu.memory_space<vmem>>, vector<16xf32>,
      tpu.vector_store %arg6[%swap3A_31], %broadcast_in_dim3A_23 {strides = array<i32>} : memref<10112xf32, #tpu.memory_space<vmem>>, vector<16xf32>,
      %swap3A_33 = arith.constant 10064 : index
      %swap3A_34 = tpu.vector_load %arg6[%swap3A_33] {strides = array<i32>} : memref<10112xf32, #tpu.memory_space<vmem>>, vector<16xf32>,
      tpu.vector_store %arg6[%swap3A_33], %broadcast_in_dim3A_23 {strides = array<i32>} : memref<10112xf32, #tpu.memory_space<vmem>>, vector<16xf32>,
      %swap3A_35 = arith.constant 10080 : index
      %swap3A_36 = tpu.vector_load %arg6[%swap3A_35] {strides = array<i32>} : memref<10112xf32, #tpu.memory_space<vmem>>, vector<16xf32>,
      tpu.vector_store %arg6[%swap3A_35], %broadcast_in_dim3A_23 {strides = array<i32>} : memref<10112xf32, #tpu.memory_space<vmem>>, vector<16xf32>,
      %swap3A_37 = arith.constant 10096 : index
      %swap3A_38 = tpu.vector_load %arg6[%swap3A_37] {strides = array<i32>} : memref<10112xf32, #tpu.memory_space<vmem>>, vector<16xf32>,
      tpu.vector_store %arg6[%swap3A_37], %broadcast_in_dim3A_23 {strides = array<i32>} : memref<10112xf32, #tpu.memory_space<vmem>>, vector<16xf32>,
    } else {
    }
    %broadcast_in_dim3A = arith.constant 0.000000e+00 : f32
    %broadcast_in_dim3A_10 = vector.broadcast %broadcast_in_dim3A : f32 to vector<16xf32>
    %scan3A = arith.constant 0 : i32
    %scan3A_11 = arith.constant 0 : i32
    %scan3A_12 = arith.constant 125 : i32
    %scan3A_13 = arith.addi %scan3A_11, %scan3A_12 : i32
    %scan3A_14 = arith.constant 1 : i32
    scf.for %scan3A_22 = %scan3A_11 to %scan3A_13 step %scan3A_14  : i32 {
      %mul3A_23 = arith.constant 5 : i32
      %mul3A_24 = arith.muli %scan3A_22, %mul3A_23 : i32
      %add3A_25 = arith.constant 0 : i32
      %add3A_26 = arith.addi %mul3A_24, %add3A_25 : i32
      %mul3A_27 = arith.constant 16 : i32
      %mul3A_28 = arith.muli %add3A_26, %mul3A_27 : i32
      %swap3A = arith.index_cast %mul3A_28 : i32 to index
      %swap3A_29 = tpu.vector_load %arg7[%swap3A] {strides = array<i32>} : memref<10000xf32, #tpu.memory_space<vmem>>, vector<16xf32>,
      tpu.vector_store %arg7[%swap3A], %broadcast_in_dim3A_10 {strides = array<i32>} : memref<10000xf32, #tpu.memory_space<vmem>>, vector<16xf32>,
      %mul3A_30 = arith.constant 5 : i32
      %mul3A_31 = arith.muli %scan3A_22, %mul3A_30 : i32
      %add3A_32 = arith.constant 1 : i32
      %add3A_33 = arith.addi %mul3A_31, %add3A_32 : i32
      %mul3A_34 = arith.constant 16 : i32
      %mul3A_35 = arith.muli %add3A_33, %mul3A_34 : i32
      %swap3A_36 = arith.index_cast %mul3A_35 : i32 to index
      %swap3A_37 = tpu.vector_load %arg7[%swap3A_36] {strides = array<i32>} : memref<10000xf32, #tpu.memory_space<vmem>>, vector<16xf32>,
      tpu.vector_store %arg7[%swap3A_36], %broadcast_in_dim3A_10 {strides = array<i32>} : memref<10000xf32, #tpu.memory_space<vmem>>, vector<16xf32>,
      %mul3A_38 = arith.constant 5 : i32
      %mul3A_39 = arith.muli %scan3A_22, %mul3A_38 : i32
      %add3A_40 = arith.constant 2 : i32
      %add3A_41 = arith.addi %mul3A_39, %add3A_40 : i32
      %mul3A_42 = arith.constant 16 : i32
      %mul3A_43 = arith.muli %add3A_41, %mul3A_42 : i32
      %swap3A_44 = arith.index_cast %mul3A_43 : i32 to index
      %swap3A_45 = tpu.vector_load %arg7[%swap3A_44] {strides = array<i32>} : memref<10000xf32, #tpu.memory_space<vmem>>, vector<16xf32>,
      tpu.vector_store %arg7[%swap3A_44], %broadcast_in_dim3A_10 {strides = array<i32>} : memref<10000xf32, #tpu.memory_space<vmem>>, vector<16xf32>,
      %mul3A_46 = arith.constant 5 : i32
      %mul3A_47 = arith.muli %scan3A_22, %mul3A_46 : i32
      %add3A_48 = arith.constant 3 : i32
      %add3A_49 = arith.addi %mul3A_47, %add3A_48 : i32
      %mul3A_50 = arith.constant 16 : i32
      %mul3A_51 = arith.muli %add3A_49, %mul3A_50 : i32
      %swap3A_52 = arith.index_cast %mul3A_51 : i32 to index
      %swap3A_53 = tpu.vector_load %arg7[%swap3A_52] {strides = array<i32>} : memref<10000xf32, #tpu.memory_space<vmem>>, vector<16xf32>,
      tpu.vector_store %arg7[%swap3A_52], %broadcast_in_dim3A_10 {strides = array<i32>} : memref<10000xf32, #tpu.memory_space<vmem>>, vector<16xf32>,
      %mul3A_54 = arith.constant 5 : i32
      %mul3A_55 = arith.muli %scan3A_22, %mul3A_54 : i32
      %add3A_56 = arith.constant 4 : i32
      %add3A_57 = arith.addi %mul3A_55, %add3A_56 : i32
      %mul3A_58 = arith.constant 16 : i32
      %mul3A_59 = arith.muli %add3A_57, %mul3A_58 : i32
      %swap3A_60 = arith.index_cast %mul3A_59 : i32 to index
      %swap3A_61 = tpu.vector_load %arg7[%swap3A_60] {strides = array<i32>} : memref<10000xf32, #tpu.memory_space<vmem>>, vector<16xf32>,
      tpu.vector_store %arg7[%swap3A_60], %broadcast_in_dim3A_10 {strides = array<i32>} : memref<10000xf32, #tpu.memory_space<vmem>>, vector<16xf32>,
    }
    %scan3A_15 = arith.constant 125 : i32
    %scan3A_16 = arith.constant 0 : i32
    %scan3A_17 = arith.constant 0 : i32
    %scan3A_18 = arith.constant 158 : i32
    %scan3A_19 = arith.addi %scan3A_17, %scan3A_18 : i32
    %scan3A_20 = arith.constant 1 : i32
    scf.for %scan3A_22 = %scan3A_17 to %scan3A_19 step %scan3A_20  : i32 {
      %mul3A_23 = arith.constant 4 : i32
      %mul3A_24 = arith.muli %scan3A_22, %mul3A_23 : i32
      %add3A_25 = arith.constant 0 : i32
      %add3A_26 = arith.addi %mul3A_24, %add3A_25 : i32
      %mul3A_27 = arith.constant 16 : i32
      %mul3A_28 = arith.muli %add3A_26, %mul3A_27 : i32
      %get3A = arith.constant 1 : i32
      %get3A_29 = arith.index_cast %get3A : i32 to index
      %get3A_30 = arith.index_cast %mul3A_28 : i32 to index
      %get3A_31 = tpu.vector_load %arg5[%get3A_29, %get3A_30] {strides = array<i32>} : memref<2x10112xi32, #tpu.memory_space<vmem>>, vector<16xi32>,
      %get3A_32 = arith.index_cast %mul3A_28 : i32 to index
      %get3A_33 = tpu.vector_load %arg6[%get3A_32] {strides = array<i32>} : memref<10112xf32, #tpu.memory_space<vmem>>, vector<16xf32>,
      tpu.vector_store_idx %arg7[%get3A_31], %get3A_33 {add = true} : memref<10000xf32, #tpu.memory_space<vmem>>[vector<16xi32>], vector<16xf32>,
      %mul3A_34 = arith.constant 4 : i32
      %mul3A_35 = arith.muli %scan3A_22, %mul3A_34 : i32
      %add3A_36 = arith.constant 1 : i32
      %add3A_37 = arith.addi %mul3A_35, %add3A_36 : i32
      %mul3A_38 = arith.constant 16 : i32
      %mul3A_39 = arith.muli %add3A_37, %mul3A_38 : i32
      %get3A_40 = arith.constant 1 : i32
      %get3A_41 = arith.index_cast %get3A_40 : i32 to index
      %get3A_42 = arith.index_cast %mul3A_39 : i32 to index
      %get3A_43 = tpu.vector_load %arg5[%get3A_41, %get3A_42] {strides = array<i32>} : memref<2x10112xi32, #tpu.memory_space<vmem>>, vector<16xi32>,
      %get3A_44 = arith.index_cast %mul3A_39 : i32 to index
      %get3A_45 = tpu.vector_load %arg6[%get3A_44] {strides = array<i32>} : memref<10112xf32, #tpu.memory_space<vmem>>, vector<16xf32>,
      tpu.vector_store_idx %arg7[%get3A_43], %get3A_45 {add = true} : memref<10000xf32, #tpu.memory_space<vmem>>[vector<16xi32>], vector<16xf32>,
      %mul3A_46 = arith.constant 4 : i32
      %mul3A_47 = arith.muli %scan3A_22, %mul3A_46 : i32
      %add3A_48 = arith.constant 2 : i32
      %add3A_49 = arith.addi %mul3A_47, %add3A_48 : i32
      %mul3A_50 = arith.constant 16 : i32
      %mul3A_51 = arith.muli %add3A_49, %mul3A_50 : i32
      %get3A_52 = arith.constant 1 : i32
      %get3A_53 = arith.index_cast %get3A_52 : i32 to index
      %get3A_54 = arith.index_cast %mul3A_51 : i32 to index
      %get3A_55 = tpu.vector_load %arg5[%get3A_53, %get3A_54] {strides = array<i32>} : memref<2x10112xi32, #tpu.memory_space<vmem>>, vector<16xi32>,
      %get3A_56 = arith.index_cast %mul3A_51 : i32 to index
      %get3A_57 = tpu.vector_load %arg6[%get3A_56] {strides = array<i32>} : memref<10112xf32, #tpu.memory_space<vmem>>, vector<16xf32>,
      tpu.vector_store_idx %arg7[%get3A_55], %get3A_57 {add = true} : memref<10000xf32, #tpu.memory_space<vmem>>[vector<16xi32>], vector<16xf32>,
      %mul3A_58 = arith.constant 4 : i32
      %mul3A_59 = arith.muli %scan3A_22, %mul3A_58 : i32
      %add3A_60 = arith.constant 3 : i32
      %add3A_61 = arith.addi %mul3A_59, %add3A_60 : i32
      %mul3A_62 = arith.constant 16 : i32
      %mul3A_63 = arith.muli %add3A_61, %mul3A_62 : i32
      %get3A_64 = arith.constant 1 : i32
      %get3A_65 = arith.index_cast %get3A_64 : i32 to index
      %get3A_66 = arith.index_cast %mul3A_63 : i32 to index
      %get3A_67 = tpu.vector_load %arg5[%get3A_65, %get3A_66] {strides = array<i32>} : memref<2x10112xi32, #tpu.memory_space<vmem>>, vector<16xi32>,
      %get3A_68 = arith.index_cast %mul3A_63 : i32 to index
      %get3A_69 = tpu.vector_load %arg6[%get3A_68] {strides = array<i32>} : memref<10112xf32, #tpu.memory_space<vmem>>, vector<16xf32>,
      tpu.vector_store_idx %arg7[%get3A_67], %get3A_69 {add = true} : memref<10000xf32, #tpu.memory_space<vmem>>[vector<16xi32>], vector<16xf32>,
    }
    %scan3A_21 = arith.constant 158 : i32
    "tpu.region"() ({
      %run_scoped3A = tpu.sem_alloc : memref<!tpu.dma_semaphore, #tpu.memory_space<semaphore_mem>>
      %dma_start3A = arith.constant 0 : i32
      %dma_start3A_22 = tpu.memref_slice %arg4[%add3A, %dma_start3A] : memref<32x10000xf32, #tpu.memory_space<hbm>> -> memref<1x10000xf32, #tpu.memory_space<hbm>>
      %dma_start3A_23 = tpu.memref_squeeze %dma_start3A_22 : memref<1x10000xf32, #tpu.memory_space<hbm>> -> memref<10000xf32, #tpu.memory_space<hbm>>
      %dma_start3A_24 = arith.constant 0 : i32
      %dma_start3A_25 = tpu.memref_slice %arg4[%add3A, %dma_start3A_24] : memref<32x10000xf32, #tpu.memory_space<hbm>> -> memref<1x10000xf32, #tpu.memory_space<hbm>>
      %dma_start3A_26 = tpu.memref_squeeze %dma_start3A_25 : memref<1x10000xf32, #tpu.memory_space<hbm>> -> memref<10000xf32, #tpu.memory_space<hbm>>
      tpu.enqueue_dma source(%arg7 : memref<10000xf32, #tpu.memory_space<vmem>>) target(%dma_start3A_26 : memref<10000xf32, #tpu.memory_space<hbm>>) target_semaphore(%run_scoped3A : memref<!tpu.dma_semaphore, #tpu.memory_space<semaphore_mem>>)
      %dma_wait3A = arith.constant 0 : i32
      %dma_wait3A_27 = tpu.memref_slice %arg4[%add3A, %dma_wait3A] : memref<32x10000xf32, #tpu.memory_space<hbm>> -> memref<1x10000xf32, #tpu.memory_space<hbm>>
      %dma_wait3A_28 = tpu.memref_squeeze %dma_wait3A_27 : memref<1x10000xf32, #tpu.memory_space<hbm>> -> memref<10000xf32, #tpu.memory_space<hbm>>
      %dma_wait3A_29 = arith.constant 0 : i32
      %dma_wait3A_30 = tpu.memref_slice %arg4[%add3A, %dma_wait3A_29] : memref<32x10000xf32, #tpu.memory_space<hbm>> -> memref<1x10000xf32, #tpu.memory_space<hbm>>
      %dma_wait3A_31 = tpu.memref_squeeze %dma_wait3A_30 : memref<1x10000xf32, #tpu.memory_space<hbm>> -> memref<10000xf32, #tpu.memory_space<hbm>>
      tpu.wait_dma2 semaphore(%run_scoped3A : memref<!tpu.dma_semaphore, #tpu.memory_space<semaphore_mem>>) src(%arg7 : memref<10000xf32, #tpu.memory_space<vmem>>) dst(%dma_wait3A_31 : memref<10000xf32, #tpu.memory_space<hbm>>)
      tpu.yield
    }) : () -> ()
    return
  }
}

module attributes {stable_mosaic.version = 14 : i64} {
  func.func @_tc_matvec_body(%arg0: memref<10000x128xf32, #tpu.memory_space<vmem>>, %arg1: memref<128x1xf32, #tpu.memory_space<vmem>>, %arg2: memref<1x10000xf32, #tpu.memory_space<vmem>>) attributes {dimension_semantics = [], scalar_prefetch = 0 : i64, scratch_operands = 0 : i64, tpu.core_type = #tpu.core_type<tc>} {
    %get3A = arith.constant 0 : index
    %get3A_0 = arith.constant 0 : index
    %get3A_1 = vector.load %arg1[%get3A, %get3A_0] : memref<128x1xf32, #tpu.memory_space<vmem>>, vector<128x1xf32>
    %get3A_2 = arith.constant 0 : index
    %get3A_3 = arith.constant 0 : index
    %get3A_4 = vector.load %arg0[%get3A_2, %get3A_3] : memref<10000x128xf32, #tpu.memory_space<vmem>>, vector<10000x128xf32>
    %dot_general3A = arith.constant dense<0.000000e+00> : vector<1x10000xf32>
    %dot_general3A_5 = tpu.matmul %get3A_1, %get3A_4, %dot_general3A {dimension_numbers = #tpu.dot_dimension_numbers<[0], [1], [1], [0], [0, 1, 1, 0], [], []>, transpose_lhs_hint = false} : vector<128x1xf32>, vector<10000x128xf32>, vector<1x10000xf32> -> vector<1x10000xf32>
    %swap3A = arith.constant 0 : index
    %swap3A_6 = arith.constant 0 : index
    %swap3A_7 = vector.load %arg2[%swap3A, %swap3A_6] : memref<1x10000xf32, #tpu.memory_space<vmem>>, vector<1x10000xf32>
    tpu.vector_store %arg2[%swap3A, %swap3A_6], %dot_general3A_5 {strides = array<i32>} : memref<1x10000xf32, #tpu.memory_space<vmem>>, vector<1x10000xf32>,
    return
  }
}

module attributes {stable_mosaic.version = 14 : i64} {
  func.func @_tc_prep_body(%arg0: memref<32x10000xf32, #tpu.memory_space<vmem>>, %arg1: memref<1x10000xf32, #tpu.memory_space<vmem>>, %arg2: memref<1x10000xf32, #tpu.memory_space<vmem>>, %arg3: memref<1x10000xf32, #tpu.memory_space<vmem>>) attributes {dimension_semantics = [], scalar_prefetch = 0 : i64, scratch_operands = 0 : i64, tpu.core_type = #tpu.core_type<tc>} {
    %get3A = arith.constant 0 : index
    %get3A_0 = arith.constant 0 : index
    %get3A_1 = vector.load %arg0[%get3A, %get3A_0] : memref<32x10000xf32, #tpu.memory_space<vmem>>, vector<32x10000xf32>
    %reduce_sum3A = arith.constant dense<0.000000e+00> : vector<10000xf32>
    %reduce_sum3A_2 = vector.multi_reduction <add>, %get3A_1, %reduce_sum3A [0] : vector<32x10000xf32> to vector<10000xf32>
    %broadcast_in_dim3A = vector.shape_cast %reduce_sum3A_2 : vector<10000xf32> to vector<1x10000xf32>
    %add3A = arith.constant 1.000000e+00 : f32
    %add3A_3 = vector.broadcast %add3A : f32 to vector<1x10000xf32>
    %add3A_4 = arith.addf %broadcast_in_dim3A, %add3A_3 : vector<1x10000xf32>
    %rsqrt3A = math.rsqrt %add3A_4 : vector<1x10000xf32>
    %swap3A = arith.constant 0 : index
    %swap3A_5 = arith.constant 0 : index
    %swap3A_6 = vector.load %arg2[%swap3A, %swap3A_5] : memref<1x10000xf32, #tpu.memory_space<vmem>>, vector<1x10000xf32>
    tpu.vector_store %arg2[%swap3A, %swap3A_5], %rsqrt3A {strides = array<i32>} : memref<1x10000xf32, #tpu.memory_space<vmem>>, vector<1x10000xf32>,
    %get3A_7 = arith.constant 0 : index
    %get3A_8 = arith.constant 0 : index
    %get3A_9 = vector.load %arg1[%get3A_7, %get3A_8] : memref<1x10000xf32, #tpu.memory_space<vmem>>, vector<1x10000xf32>
    %mul3A = arith.mulf %rsqrt3A, %get3A_9 : vector<1x10000xf32>
    %swap3A_10 = arith.constant 0 : index
    %swap3A_11 = arith.constant 0 : index
    %swap3A_12 = vector.load %arg3[%swap3A_10, %swap3A_11] : memref<1x10000xf32, #tpu.memory_space<vmem>>, vector<1x10000xf32>
    tpu.vector_store %arg3[%swap3A_10, %swap3A_11], %mul3A {strides = array<i32>} : memref<1x10000xf32, #tpu.memory_space<vmem>>, vector<1x10000xf32>,
    return
  }
}

module attributes {stable_mosaic.version = 14 : i64} {
  func.func @_tc_final_body(%arg0: memref<32x10000xf32, #tpu.memory_space<vmem>>, %arg1: memref<1x10000xf32, #tpu.memory_space<vmem>>, %arg2: memref<1x10000xf32, #tpu.memory_space<vmem>>, %arg3: memref<1x1xf32, #tpu.memory_space<vmem>>, %arg4: memref<1x10000xf32, #tpu.memory_space<vmem>>) attributes {dimension_semantics = [], scalar_prefetch = 0 : i64, scratch_operands = 0 : i64, tpu.core_type = #tpu.core_type<tc>} {
    %get3A = arith.constant 0 : index
    %get3A_0 = arith.constant 0 : index
    %get3A_1 = vector.load %arg0[%get3A, %get3A_0] : memref<32x10000xf32, #tpu.memory_space<vmem>>, vector<32x10000xf32>
    %reduce_sum3A = arith.constant dense<0.000000e+00> : vector<10000xf32>
    %reduce_sum3A_2 = vector.multi_reduction <add>, %get3A_1, %reduce_sum3A [0] : vector<32x10000xf32> to vector<10000xf32>
    %broadcast_in_dim3A = vector.shape_cast %reduce_sum3A_2 : vector<10000xf32> to vector<1x10000xf32>
    %get3A_3 = arith.constant 0 : index
    %get3A_4 = arith.constant 0 : index
    %get3A_5 = vector.load %arg1[%get3A_3, %get3A_4] : memref<1x10000xf32, #tpu.memory_space<vmem>>, vector<1x10000xf32>
    %get3A_6 = arith.constant 0 : index
    %get3A_7 = arith.constant 0 : index
    %get3A_8 = vector.load %arg2[%get3A_6, %get3A_7] : memref<1x10000xf32, #tpu.memory_space<vmem>>, vector<1x10000xf32>
    %add3A = arith.addf %broadcast_in_dim3A, %get3A_8 : vector<1x10000xf32>
    %mul3A = arith.mulf %get3A_5, %add3A : vector<1x10000xf32>
    %get3A_9 = arith.constant 0 : index
    %get3A_10 = arith.constant 0 : index
    %get3A_11 = vector.load %arg3[%get3A_9, %get3A_10] : memref<1x1xf32, #tpu.memory_space<vmem>>, vector<1x1xf32>
    %get3A_12 = vector.extract %get3A_11[0, 0] : f32 from vector<1x1xf32>
    %add3A_13 = vector.broadcast %get3A_12 : f32 to vector<1x10000xf32>
    %add3A_14 = arith.addf %mul3A, %add3A_13 : vector<1x10000xf32>
    %swap3A = arith.constant 0 : index
    %swap3A_15 = arith.constant 0 : index
    %swap3A_16 = vector.load %arg4[%swap3A, %swap3A_15] : memref<1x10000xf32, #tpu.memory_space<vmem>>, vector<1x10000xf32>
    tpu.vector_store %arg4[%swap3A, %swap3A_15], %add3A_14 {strides = array<i32>} : memref<1x10000xf32, #tpu.memory_space<vmem>>, vector<1x10000xf32>,
    return
  }
}

</mosaic_0001>

<sc_bundles>
// kernel: kernel.10.cloned.1.call-start
scs
__scs_entry_jumppad:
0x0: {  	(pc) =	sbr.rel $0x88, $3  }
0x1: {  	(tag) =	ssettag $0x0;
	lr =	simm.s32 $0x1  }
0x2: {  	[smem:$0x3F9C] =	sst lr;
	_ =	strace $0xD0000000  }
0x3: {  	_ = 	snop  }
0x4: {  	_ = 	snop  }
0x5: {  	_ = 	snop  }
0x6: {  	_ = 	snop  }
0x7: {  	_ = 	snop  }
__scs_overlays_trampoline_lowered:
0x8: {  	[smem:$0x3FAB] =	sst s0  }
0x9: {  	[smem:$0x3FAC] =	sst s1  }
0xa: {  	[smem:$0x3FAD] =	sst s2  }
0xb: {  	[smem:$0x3FAE] =	sst s3  }
0xc: {  	[smem:$0x3FAF] =	sst s4  }
0xd: {  	[smem:$0x3FB0] =	sst s5  }
0xe: {  	[smem:$0x3FB1] =	sst s6  }
0xf: {  	[smem:$0x3FB2] =	sst s7  }
0x10: {  	[smem:$0x3FB3] =	sst s8  }
0x11: {  	[smem:$0x3FB4] =	sst s9;
	s0 =	simm.s32 @!p0 $0x0  }
0x12: {  	s1 =	sld [smem:$0x3F9A];
	s0 =	simm.s32 @p0 $0x1  }
0x13: {  	[smem:$0x3FB5] =	sst s0;
	s0 =	simm.s32 @!p1 $0x0  }
0x14: {  	s2 =	sld [smem:$0x3F99];
	s0 =	simm.s32 @p1 $0x1  }
0x15: {  	[smem:$0x3FB6] =	sst s0;
	s0 =	simm.s32 @!p2 $0x0  }
0x16: {  	s3 =	sld [smem:$0x3FDB];
	s0 =	simm.s32 @p2 $0x1  }
0x17: {  	s4 =	simm.s32 $0x1BF5;
	[smem:$0x3FB8] =	sst s0  }
0x18: {  	s0 =	sld [smem:$0x3F9B];
	_ =	swait.ge [sflag:s4], $0x0  }
0x19: {  	s7 =	sld [smem:$0x3F9C]  }
0x1a: {  	s8 =	sadd.s32 $0xFFFFE003, lr  }
0x1b: {  	s9 =	sadd.s32 $0xFFFFFEF7, lr;
	s5 =	simm.s32 $0xFFFFFFFF;
	p2 =	slt.u32 s8, $0xFFFFF086  }
0x1c: {  	p1 =	slt.u32 s9, $0xF7A;
	s5 =	simm.s32 @!p2 $0x0  }
0x1d: {  	s5 =	simm.s32 @p1 $0x1;
	p0 =	seq.s32 s7, s2  }
0x1e: {  	s7 =	smul.u32 @!p0 $0xF7A, s2;
	p2 =	seq.s32 @!p0 s5, $0x0  }
0x1f: {  	s9 =	smul.u32 $0xF7A, s1;
	s8 =	simm.s32 @!p0 $0x1BF5;
	p2 =	por !p2, p0  }
0x20: {  	[sflag:s8] =	ssyncset.s32 @!p0 $0xFFFFF086;
	s6 =	sadd.s32 @!p0 s3, s7;
	s7 =	simm.s32 @!p0 $0x108  }
0x21: {  	s3 =	sadd.s32 s3, s9;
	s6 =	sadd.s32 @!p0 $0x88, s6;
	s7 =	simm.s32 @p2 $0x1082  }
0x22: {  	[simem:s7], [sflag:s8] =	dma.local @!p0 [hbm:s6], $0xF7A  }
0x23: {  	s9 =	sor.u32 $0xD0000000, s2;
	s6 =	simm.s32 $0x108;
	_ =	swait.ge @!p0 [sflag:s8], $0x0  }
0x24: {  	s3 =	sadd.s32 $0x88, s3;
	s6 =	simm.s32 @!p1 $0x1082;
	[sflag:s4] =	ssyncset.s32 $0xFFFFF086  }
0x25: {  	[simem:s6], [sflag:s4] =	dma.local [hbm:s3], $0xF7A  }
0x26: {  	[smem:$0x3F9C] =	sst s1;
	(tag) =	ssettag s2;
	_ =	strace s9  }
0x27: {  	s1 =	sld [smem:$0x3FAC]  }
0x28: {  	s2 =	sld [smem:$0x3FAD]  }
0x29: {  	s4 =	sld [smem:$0x3FAF]  }
0x2a: {  	p0 =	seq.s32 s5, $0x0;
	s5 =	sld [smem:$0x3FB0]  }
0x2b: {  	s6 =	sld [smem:$0x3FB1]  }
0x2c: {  	s7 =	sld [smem:$0x3FB2]  }
0x2d: {  	s3 =	simm.s32 $0x108;
	s8 =	sld [smem:$0x3FB3]  }
0x2e: {  	s3 =	simm.s32 @!p0 $0x1082;
	s9 =	sld [smem:$0x3FB4]  }
0x2f: {  	lr =	sadd.s32 s0, s3;
	s0 =	sld [smem:$0x3FAB]  }
0x30: {  	s3 =	sld [smem:$0x3FAE]  }
0x31: {  	[smem:$0x3FB7] =	sst s10  }
0x32: {  	s10 =	sld [smem:$0x3FB5];
	_ =	sdelay $0x3  }
0x33: {  	p0 =	seq.s32 s10, $0x1;
	s10 =	sld [smem:$0x3FB7];
	_ =	sdelay $0x3  }
0x34: {  	[smem:$0x3FB7] =	sst s10  }
0x35: {  	s10 =	sld [smem:$0x3FB6];
	_ =	sdelay $0x3  }
0x36: {  	p1 =	seq.s32 s10, $0x1;
	s10 =	sld [smem:$0x3FB7];
	_ =	sdelay $0x3  }
0x37: {  	[smem:$0x3FB7] =	sst s10  }
0x38: {  	s10 =	sld [smem:$0x3FB8]  }
0x39: {  	_ = 	snop;
	(pc) =	sbr.ind lr, $3  }
0x3a: {  	_ = 	snop  }
0x3b: {  	_ = 	snop  }
0x3c: {  	p2 =	seq.s32 s10, $0x1;
	s10 =	sld [smem:$0x3FB7]  }
0x3d: {  	_ =	shalt  }
0x3e: {  	_ =	shalt  }
0x3f: {  	_ =	shalt  }
0x40: {  	_ =	shalt  }
0x41: {  	_ =	shalt  }
0x42: {  	_ =	shalt  }
0x43: {  	_ =	shalt  }
0x44: {  	_ =	shalt  }
0x45: {  	_ =	shalt  }
0x46: {  	_ =	shalt  }
0x47: {  	_ =	shalt  }
0x48: {  	_ =	shalt  }
0x49: {  	_ =	shalt  }
0x4a: {  	_ =	shalt  }
0x4b: {  	_ =	shalt  }
0x4c: {  	_ =	shalt  }
0x4d: {  	_ =	shalt  }
0x4e: {  	_ =	shalt  }
0x4f: {  	_ =	shalt  }
0x50: {  	_ =	shalt  }
0x51: {  	_ =	shalt  }
0x52: {  	_ =	shalt  }
0x53: {  	_ =	shalt  }
0x54: {  	_ =	shalt  }
0x55: {  	_ =	shalt  }
0x56: {  	_ =	shalt  }
0x57: {  	_ =	shalt  }
0x58: {  	_ =	shalt  }
0x59: {  	_ =	shalt  }
0x5a: {  	_ =	shalt  }
0x5b: {  	_ =	shalt  }
0x5c: {  	_ =	shalt  }
0x5d: {  	_ =	shalt  }
0x5e: {  	_ =	shalt  }
0x5f: {  	_ =	shalt  }
0x60: {  	_ =	shalt  }
0x61: {  	_ =	shalt  }
0x62: {  	_ =	shalt  }
0x63: {  	_ =	shalt  }
0x64: {  	_ =	shalt  }
0x65: {  	_ =	shalt  }
0x66: {  	_ =	shalt  }
0x67: {  	_ =	shalt  }
0x68: {  	_ =	shalt  }
0x69: {  	_ =	shalt  }
0x6a: {  	_ =	shalt  }
0x6b: {  	_ =	shalt  }
0x6c: {  	_ =	shalt  }
0x6d: {  	_ =	shalt  }
0x6e: {  	_ =	shalt  }
0x6f: {  	_ =	shalt  }
0x70: {  	_ =	shalt  }
0x71: {  	_ =	shalt  }
0x72: {  	_ =	shalt  }
0x73: {  	_ =	shalt  }
0x74: {  	_ =	shalt  }
0x75: {  	_ =	shalt  }
0x76: {  	_ =	shalt  }
0x77: {  	_ =	shalt  }
0x78: {  	_ =	shalt  }
0x79: {  	_ =	shalt  }
0x7a: {  	_ =	shalt  }
0x7b: {  	_ =	shalt  }
0x7c: {  	_ =	shalt  }
0x7d: {  	_ =	shalt  }
0x7e: {  	_ =	shalt  }
0x7f: {  	_ =	shalt  }
0x80: {  	_ =	shalt  }
0x81: {  	_ =	shalt  }
0x82: {  	_ =	shalt  }
0x83: {  	_ =	shalt  }
0x84: {  	_ =	shalt  }
0x85: {  	_ =	shalt  }
0x86: {  	_ =	shalt  }
0x87: {  	_ =	shalt  }
.Lfunc_end0:
.L_simem_size_0:
called_computation.1_lowered:
.L_overlay_start_0:
0x88: {  	s2 =	sld [smem:$0x3FD9]  }
0x89: {  	s3 =	sld [smem:$0x3FFE];
	_ =	sdelay $0x1  }
0x8a: {  	s1 =	srdreg.scid  }
0x8b: {  	s0 =	sand.u32 $0x1, s1  }
0x8c: {  	s17 =	sshll.u32 s0, $0xA;
	s2 =	sadd.s32 s3, s2  }
0x8d: {  	s2 =	sadd.s32 s2, s17  }
0x8e: {  	[smem:$0x3FC3] =	sst s2  }
0x8f: {  	_ = 	snop  }
0x90: {  	s2 =	sld [smem:$0x3FC8]  }
0x91: {  	s18 =	sld [smem:$0x3FC7];
	(tm) =	ssettm $0x1  }
0x92: {  	s4 =	sld [smem:$0x3FFB];
	_ =	sdelay $0x3  }
0x93: {  	_ =	strace s4  }
0x94: {  	s4 =	sld [smem:$0x3FFC];
	_ =	sdelay $0x3  }
0x95: {  	_ =	strace s4  }
0x96: {  	s4 =	sld [smem:$0x3FFD];
	_ =	sdelay $0x3  }
0x97: {  	_ =	strace s4  }
0x98: {  	_ =	strace $0x8FFFFFFF  }
0x99: {  	s19 =	sld [smem:$0x3FDB];
	_ =	sdelay $0x1  }
0x9a: {  	s5 =	simm.s32 $_scs_section_size  }
0x9b: {  	s6 =	simm.s32 $_size__tile_overlayer_lowered;
	s7 =	simm.s32 $_tile_overlayer_lowered  }
0x9c: {  	s22 =	simm.s32 $0x1BFF;
	s21 =	sshll.u32 s7, $0x1;
	s4 =	sadd.s32 s5, s19  }
0x9d: {  	s8 =	simm.s32 $0x0;
	s20 =	sshll.u32 s6, $0x1;
	s6 =	sadd.s32 s21, s4  }
0x9e: {  	[timem:s8], [sflag:s22] =	dma.local [hbm:s6], s20  }
0x9f: {  	_ =	swait.ge [sflag:s22], s20  }
0xa0: {  	s5 =	ssub.s32 $0x0, s20;
	[sflag:s22] =	ssyncset.done $0x0  }
0xa1: {  	[sflag:s22] =	ssyncadd.s32 s5;
	_ =	sdelay $0x1  }
0xa2: {  	s23 =	simm.s32 $0x1B8B  }
0xa3: {  	_ =	swait.ge [sflag:s23], $0x1  }
0xa4: {  	[sflag:s23] =	ssyncset.done $0x0  }
0xa5: {  	s25 =	simm.s32 $0x1B8E;
	s24 =	sld [smem:$0x3FFE];
	[sflag:s23] =	ssyncadd.s32 $0xFFFFFFFF  }
0xa6: {  	s26 =	simm.s32 $execute0_lowered;
	[smem:$0x3FD2] =	sst s25  }
0xa7: {  	s6 =	sshll.u32 s26, $0x1;
	_ =	strace $0x80000049;
	[dreg:$0x1] =	wrdreg $0xFFFFFFFF  }
0xa8: {  	s28 =	simm.s32 $_size_execute0_lowered;
	s4 =	sadd.s32 s4, s6;
	[dreg:$0x0] =	wrdreg $0x0  }
0xa9: {  	s6 =	sshll.u32 s28, $0x1;
	[dreg:$0x2] =	wrdreg s4  }
0xaa: {  	[dreg:$0x3] =	wrdreg s6  }
0xab: {  	[dreg:$0x4] =	wrdreg $0xC0  }
0xac: {  	_ =	task [dreg:s8], $0x5FFFF  }
0xad: {  	[dreg:$0x1] =	wrdreg $0xFFFFFFFF  }
0xae: {  	[dreg:$0x0] =	wrdreg $0x60  }
0xaf: {  	[dreg:$0x2] =	wrdreg s2  }
0xb0: {  	[dreg:$0x3] =	wrdreg s18  }
0xb1: {  	[dreg:$0x4] =	wrdreg s24  }
0xb2: {  	[dreg:$0x5] =	wrdreg $0x9  }
0xb3: {  	_ =	task.clear_ibuf [dreg:s8], $0x6FFFF;
	_ =	strace $0x90000049  }
0xb4: {  	s29 =	simm.s32 $0x9;
	_ =	strace $0x8000004B  }
0xb5: {  	_ =	swait.ge [sflag:s29], $0x1  }
0xb6: {  	[sflag:s29] =	ssyncadd.s32 $0xFFFFFFFF  }
0xb7: {  	_ =	strace $0x9000004B  }
0xb8: {  	_ =	sfence  }
0xb9: {  	s30 =	sld [smem:$0x0];
	_ =	sdelay $0x2  }
0xba: {  	s31 =	sshll.u32 s1, $0xD;
	s1 =	sshrl.u32 s1, $0x2  }
0xbb: {  	s3 =	sand.u32 $0x4000, s31;
	s1 =	sadd.s32 s1, s30  }
0xbc: {  	s0 =	sor.u32 s3, s0;
	s1 =	sshll.u32 s1, $0x11  }
0xbd: {  	s0 =	sor.u32 s1, s0  }
0xbe: {  	s0 =	sadd.s32 $0x8F2B, s0  }
0xbf: {  	[sflag:s0] =	ssyncadd.remote.s32 $0x1  }
0xc0: {  	_ =	sfence.sel $0xFFFF  }
0xc1: {  	[dreg:$0x0] =	wrdreg $0xFFFFFFFF;
	(pc) =	sbr.abs _section_cstart, $3  }
0xc2: {  	[dreg:$0x1] =	wrdreg $0xFFFFFFFF  }
0xc3: {  	_ =	task.clear_ibuf [dreg:s8], $0x2FFFF;
	_ =	strace $0x9FFFFFFF  }
0xc4: {  	(tm) =	ssettm $0x7FFFFFFF  }
0xc5: {  	_ =	shalt  }
tec
execute0_lowered:
.L_overlay_start_1:
0x0: {  	(tag) =	ssettag $0x1  }
0x1: {  	s4 =	rddreg [dreg:$0x0]  }
0x2: {  	s5 =	rddreg [dreg:$0x1]  }
0x3: {  	s6 =	rddreg [dreg:$0x2]  }
0x4: {  	s2 =	srdreg.scid;
	s1 =	stileid.u32  }
0x5: {  	s0 =	rddreg [dreg:$0x3];
	s12 =	simm.s32 $0x80;
	s13 =	simm.s32 $0x400  }
0x6: {  	s14 =	simm.s32 $0x0;
	s7 =	sand.u32 $0x1, s2;
	s3 =	sshll.u32 s1, $0x1  }
0x7: {  	s2 =	simm.s32 $0x0;
	s28 =	sshrl.u32 s1, $0x2;
	p0 =	sgt.u32 s1, $0xD  }
0x8: {  	s8 =	sor.u32 s7, s3;
	[smem:$0x7FF] =	sst s2;
	s9 =	smul.u32 $0x13C00, s28  }
0x9: {  	s3 =	sadd.s32 $0x1400, s6;
	s7 =	ssub.s32 $0x2, s7;
	s29 =	sshll.u32 s8, $0x7  }
0xa: {  	_ =	strace $0x8000004A;
	s11 =	smul.u32 $0x4E, s8;
	s30 =	sshrl.u32 s7, $0x1  }
0xb: {  	s8 =	smax.u32 s8, $0x1C;
	s10 =	sand.u32 $0x380, s29;
	s7 =	ssub.s32 s7, s30  }
0xc: {  	s9 =	sor.u32 s9, s10;
	s8 =	sadd.s32 s11, s8;
	s7 =	smax.u32 s7, $0x1  }
0xd: {  	s10 =	simm.s32 $0x7680;
	s9 =	sshrl.u32 s9, $0x3;
	s8 =	sadd.s32 $0xFFFFFFE4, s8  }
0xe: {  	s11 =	simm.s32 $0x9E00;
	s6 =	sadd.s32 s9, s6;
	s31 =	sshll.u32 s8, $0x5  }
0xf: {  	s8 =	sshll.u32 s8, $0x4;
	s9 =	simm.s32 $0x4F00;
	s4 =	sadd.s32 s4, s31  }
0x10: {  	v0 =	vimm.f32 $0.0e+00;
	s5 =	sadd.s32 s5, s8;
	s6 =	sadd.s32 $0x1A00, s6;
	s8 =	simm.s32 $0x1  }
.LBB2_1:
0x11: {  	[tilespmem:s2], [sflag:$0x1] =	stream.linear.gather [hbm4b:s4+s2], $0x4F00, $0x38;
	[tilespmem:$0xC580] =	vst v63  }
0x12: {  	_ =	swait.ge [sflag:s8], $0x4F00  }
0x13: {  	[sflag:s8] =	ssyncset.done $0x0  }
0x14: {  	[sflag:s8] =	ssyncadd.s32 $0xFFFFB100  }
0x15: {  	[tilespmem:s9], [sflag:$0x1] =	stream.linear.gather [hbm4b:s5+s2], $0x2780, $0x38;
	[tilespmem:$0xC580] =	vst v63  }
0x16: {  	_ =	swait.ge [sflag:s8], $0x2780  }
0x17: {  	[sflag:s8] =	ssyncset.done $0x0  }
0x18: {  	[sflag:s8] =	ssyncadd.s32 $0xFFFFD880  }
0x19: {  	[tilespmem:s10], [sflag:$0x1] =	stream.linear.gather [hbm4b:s3+s2], $0x2780, $0x38;
	[tilespmem:$0xC580] =	vst v63  }
0x1a: {  	_ =	swait.ge [sflag:s8], $0x2780  }
0x1b: {  	[sflag:s8] =	ssyncset.done $0x0  }
0x1c: {  	v1 =	vimm.f32 @!p0 $0.0e+00;
	[sflag:s8] =	ssyncadd.s32 $0xFFFFD880  }
0x1d: {  	[tilespmem:$0x7600] =	vst @!p0 v1  }
0x1e: {  	[tilespmem:$0x7610] =	vst @!p0 v1  }
0x1f: {  	[tilespmem:$0x7620] =	vst @!p0 v1  }
0x20: {  	[tilespmem:$0x7630] =	vst @!p0 v1  }
0x21: {  	[tilespmem:$0x7640] =	vst @!p0 v1  }
0x22: {  	[tilespmem:$0x7650] =	vst @!p0 v1  }
0x23: {  	[tilespmem:$0x7660] =	vst @!p0 v1  }
0x24: {  	s16 =	simm.s32 $0x140;
	s15 =	simm.s32 $0x0;
	[tilespmem:$0x7670] =	vst @!p0 v1  }
.LBB2_2:
0x25: {  	p1 =	sne.s32 s16, $0x9B00;
	[tilespmem:s15+$0x9E40] =	vst v0;
	s17 =	smov.u32 s16;
	s16 =	sadd.s32 $0x140, s16  }
.Ltmp0:
0x26: {  	[tilespmem:s15+$0x9E30] =	vst v0;
	(pc) =	sbr.rel @p1 .LBB2_2-.Ltmp0, $4  }
0x27: {  	[tilespmem:s15+$0x9E20] =	vst v0  }
0x28: {  	[tilespmem:s15+$0x9E00] =	vst v0  }
0x29: {  	[tilespmem:s15+$0x9E10] =	vst v0  }
0x2a: {  	s15 =	sshra.s32 s17, $0x2  }
0x2b: {  	[tilespmem:s15+$0x9E40] =	vst v0  }
0x2c: {  	[tilespmem:s15+$0x9E30] =	vst v0  }
0x2d: {  	[tilespmem:s15+$0x9E20] =	vst v0  }
0x2e: {  	[tilespmem:s15+$0x9E00] =	vst v0  }
0x2f: {  	[tilespmem:s15+$0x9E10] =	vst v0;
	s15 =	simm.s32 $0x0;
	s16 =	simm.s32 $0x4F00;
	s17 =	simm.s32 $0x0  }
.LBB2_4:
0x30: {  	s18 =	sand.u32 $0x40, s17;
	s19 =	sand.u32 $0x7F00, s15  }
0x31: {  	s20 =	sor.u32 s18, s19  }
0x32: {  	v1 =	vld [tilespmem:s20+$0x0];
	_ =	sdelay $0x5  }
0x33: {  	v3 =	vld [tilespmem:s16+$0x0]  }
0x34: {  	v2 =	vld [tilespmem:s20+$0x80]  }
0x35: {  	v1 =	vld.idx.msk [tilespmem:v1+s10+$0x0], $0xffff;
	_ =	sdelay $0x4  }
0x36: {  	v1 =	vmul.f32 v1, v3  }
0x37: {  	s29 =	sor.u32 $0x10, s18  }
0x38: {  	s21 =	sor.u32 s29, s19;
	[tilespmem:v2+s11+$0x0] =	vst.idx.add.f32.msk $0xffff, v1  }
0x39: {  	v1 =	vld [tilespmem:s21+$0x0];
	_ =	sdelay $0x3  }
0x3a: {  	s22 =	sand.u32 $0x3F80, s17  }
0x3b: {  	s22 =	sadd.s32 $0x4F00, s22  }
0x3c: {  	s20 =	sor.u32 s29, s22;
	v2 =	vld [tilespmem:s21+$0x80]  }
0x3d: {  	v3 =	vld [tilespmem:s20+$0x0]  }
0x3e: {  	v1 =	vld.idx.msk [tilespmem:v1+s10+$0x0], $0xffff;
	_ =	sdelay $0x4  }
0x3f: {  	v1 =	vmul.f32 v1, v3  }
0x40: {  	s30 =	sor.u32 $0x20, s18  }
0x41: {  	s31 =	sor.u32 s30, s19;
	[tilespmem:v2+s11+$0x0] =	vst.idx.add.f32.msk $0xffff, v1  }
0x42: {  	v1 =	vld [tilespmem:s31+$0x0];
	_ =	sdelay $0x5  }
0x43: {  	s20 =	sor.u32 s30, s22;
	v2 =	vld [tilespmem:s31+$0x80]  }
0x44: {  	v3 =	vld [tilespmem:s20+$0x0]  }
0x45: {  	v1 =	vld.idx.msk [tilespmem:v1+s10+$0x0], $0xffff;
	_ =	sdelay $0x4  }
0x46: {  	v1 =	vmul.f32 v1, v3  }
0x47: {  	s18 =	sor.u32 $0x30, s18  }
0x48: {  	s19 =	sor.u32 s18, s19;
	[tilespmem:v2+s11+$0x0] =	vst.idx.add.f32.msk $0xffff, v1  }
0x49: {  	v1 =	vld [tilespmem:s19+$0x0];
	_ =	sdelay $0x5  }
0x4a: {  	s18 =	sor.u32 s18, s22;
	v2 =	vld [tilespmem:s19+$0x80]  }
0x4b: {  	v3 =	vld [tilespmem:s18+$0x0]  }
0x4c: {  	v1 =	vld.idx.msk [tilespmem:v1+s10+$0x0], $0xffff;
	_ =	sdelay $0x1  }
0x4d: {  	p1 =	sne.s32 s17, $0x2740  }
.Ltmp1:
0x4e: {  	_ = 	snop;
	(pc) =	sbr.rel @p1 .LBB2_4-.Ltmp1, $3  }
0x4f: {  	_ = 	snop  }
0x50: {  	v1 =	vmul.f32 v1, v3;
	_ =	sdelay $0x1  }
0x51: {  	s15 =	sadd.s32 $0x80, s15;
	s16 =	sadd.s32 $0x40, s16;
	s17 =	sadd.s32 $0x40, s17;
	[tilespmem:v2+s11+$0x0] =	vst.idx.add.f32.msk $0xffff, v1  }
0x52: {  	s14 =	sadd.s32 $0x1, s14  }
0x53: {  	p1 =	sne.s32 s14, s7  }
.Ltmp2:
0x54: {  	_ = 	snop;
	(pc) =	sbr.rel @p1 .LBB2_1-.Ltmp2, $4  }
0x55: {  	[hbm4b:s6+s12] =	stream.strided.scatter [tilespmem:s11], [sflag:$0x1], $0x2780, s13, s12, $0x38;
	[tilespmem:$0xC580] =	vst v63  }
0x56: {  	_ =	swait.ge [sflag:s8], $0x2780  }
0x57: {  	[sflag:s8] =	ssyncset.done $0x0  }
0x58: {  	[sflag:s8] =	ssyncadd.s32 $0xFFFFD880  }
0x59: {  	_ =	sfence.sel $0x180000  }
0x5a: {  	[bflag:$0x0] =	sbarrier.arrive $0xFFFF  }
0x5b: {  	p0 =	sne.s32 s1, $0x0;
	_ =	strace $0x9000004A  }
0x5c: {  	s0 =	sadd.s32 @!p0 $0x100000, s0;
	[bflag:$0x2] =	sbarrier.arrive $0xFFFF  }
0x5d: {  	[sflag:s0] =	ssyncadd.tile.s32 @!p0 $0x1;
	_ =	shalt  }
.Lfunc_end2:
_tile_overlayer_lowered:
.L_overlay_start_2:
0x5e: {  	(tag) =	ssettag $0x2  }
0x5f: {  	s0 =	rddreg [dreg:$0x0];
	s2 =	stileid.u32  }
0x60: {  	s1 =	rddreg [dreg:$0x1];
	p0 =	sne.s32 s2, $0x0  }
0x61: {  	s3 =	rddreg [dreg:$0x2];
	[bflag:$0x3] =	sbarrier.arrive $0xFFFF;
	s2 =	simm.s32 @!p0 $0x1C01  }
0x62: {  	[timem:s3], [sflag:s2] =	dma.local @!p0 [hbm:s0], s1  }
0x63: {  	s0 =	simm.s32 @!p0 $0x1  }
0x64: {  	_ =	swait.ge @!p0 [sflag:s0], s1  }
0x65: {  	s1 =	ssub.s32 @!p0 $0x0, s1;
	[sflag:s0] =	ssyncset.done @!p0 $0x0  }
0x66: {  	[sflag:s0] =	ssyncadd.s32 @!p0 s1  }
0x67: {  	[bflag:$0x3] =	sbarrier.arrive $0xFFFF  }
0x68: {  	_ =	shalt  }

// kernel: kernel.7.cloned.1.call-start
scs
__scs_entry_jumppad:
0x0: {  	(pc) =	sbr.rel $0x88, $3  }
0x1: {  	(tag) =	ssettag $0x0;
	lr =	simm.s32 $0x1  }
0x2: {  	[smem:$0x3F9C] =	sst lr;
	_ =	strace $0xD0000000  }
0x3: {  	_ = 	snop  }
0x4: {  	_ = 	snop  }
0x5: {  	_ = 	snop  }
0x6: {  	_ = 	snop  }
0x7: {  	_ = 	snop  }
__scs_overlays_trampoline_lowered:
0x8: {  	[smem:$0x3FAB] =	sst s0  }
0x9: {  	[smem:$0x3FAC] =	sst s1  }
0xa: {  	[smem:$0x3FAD] =	sst s2  }
0xb: {  	[smem:$0x3FAE] =	sst s3  }
0xc: {  	[smem:$0x3FAF] =	sst s4  }
0xd: {  	[smem:$0x3FB0] =	sst s5  }
0xe: {  	[smem:$0x3FB1] =	sst s6  }
0xf: {  	[smem:$0x3FB2] =	sst s7  }
0x10: {  	[smem:$0x3FB3] =	sst s8  }
0x11: {  	[smem:$0x3FB4] =	sst s9;
	s0 =	simm.s32 @!p0 $0x0  }
0x12: {  	s1 =	sld [smem:$0x3F9A];
	s0 =	simm.s32 @p0 $0x1  }
0x13: {  	[smem:$0x3FB5] =	sst s0;
	s0 =	simm.s32 @!p1 $0x0  }
0x14: {  	s2 =	sld [smem:$0x3F99];
	s0 =	simm.s32 @p1 $0x1  }
0x15: {  	[smem:$0x3FB6] =	sst s0;
	s0 =	simm.s32 @!p2 $0x0  }
0x16: {  	s3 =	sld [smem:$0x3FDB];
	s0 =	simm.s32 @p2 $0x1  }
0x17: {  	s4 =	simm.s32 $0x1BF5;
	[smem:$0x3FB8] =	sst s0  }
0x18: {  	s0 =	sld [smem:$0x3F9B];
	_ =	swait.ge [sflag:s4], $0x0  }
0x19: {  	s7 =	sld [smem:$0x3F9C]  }
0x1a: {  	s8 =	sadd.s32 $0xFFFFE003, lr  }
0x1b: {  	s9 =	sadd.s32 $0xFFFFFEF7, lr;
	s5 =	simm.s32 $0xFFFFFFFF;
	p2 =	slt.u32 s8, $0xFFFFF086  }
0x1c: {  	p1 =	slt.u32 s9, $0xF7A;
	s5 =	simm.s32 @!p2 $0x0  }
0x1d: {  	s5 =	simm.s32 @p1 $0x1;
	p0 =	seq.s32 s7, s2  }
0x1e: {  	s7 =	smul.u32 @!p0 $0xF7A, s2;
	p2 =	seq.s32 @!p0 s5, $0x0  }
0x1f: {  	s9 =	smul.u32 $0xF7A, s1;
	s8 =	simm.s32 @!p0 $0x1BF5;
	p2 =	por !p2, p0  }
0x20: {  	[sflag:s8] =	ssyncset.s32 @!p0 $0xFFFFF086;
	s6 =	sadd.s32 @!p0 s3, s7;
	s7 =	simm.s32 @!p0 $0x108  }
0x21: {  	s3 =	sadd.s32 s3, s9;
	s6 =	sadd.s32 @!p0 $0x88, s6;
	s7 =	simm.s32 @p2 $0x1082  }
0x22: {  	[simem:s7], [sflag:s8] =	dma.local @!p0 [hbm:s6], $0xF7A  }
0x23: {  	s9 =	sor.u32 $0xD0000000, s2;
	s6 =	simm.s32 $0x108;
	_ =	swait.ge @!p0 [sflag:s8], $0x0  }
0x24: {  	s3 =	sadd.s32 $0x88, s3;
	s6 =	simm.s32 @!p1 $0x1082;
	[sflag:s4] =	ssyncset.s32 $0xFFFFF086  }
0x25: {  	[simem:s6], [sflag:s4] =	dma.local [hbm:s3], $0xF7A  }
0x26: {  	[smem:$0x3F9C] =	sst s1;
	(tag) =	ssettag s2;
	_ =	strace s9  }
0x27: {  	s1 =	sld [smem:$0x3FAC]  }
0x28: {  	s2 =	sld [smem:$0x3FAD]  }
0x29: {  	s4 =	sld [smem:$0x3FAF]  }
0x2a: {  	p0 =	seq.s32 s5, $0x0;
	s5 =	sld [smem:$0x3FB0]  }
0x2b: {  	s6 =	sld [smem:$0x3FB1]  }
0x2c: {  	s7 =	sld [smem:$0x3FB2]  }
0x2d: {  	s3 =	simm.s32 $0x108;
	s8 =	sld [smem:$0x3FB3]  }
0x2e: {  	s3 =	simm.s32 @!p0 $0x1082;
	s9 =	sld [smem:$0x3FB4]  }
0x2f: {  	lr =	sadd.s32 s0, s3;
	s0 =	sld [smem:$0x3FAB]  }
0x30: {  	s3 =	sld [smem:$0x3FAE]  }
0x31: {  	[smem:$0x3FB7] =	sst s10  }
0x32: {  	s10 =	sld [smem:$0x3FB5];
	_ =	sdelay $0x3  }
0x33: {  	p0 =	seq.s32 s10, $0x1;
	s10 =	sld [smem:$0x3FB7];
	_ =	sdelay $0x3  }
0x34: {  	[smem:$0x3FB7] =	sst s10  }
0x35: {  	s10 =	sld [smem:$0x3FB6];
	_ =	sdelay $0x3  }
0x36: {  	p1 =	seq.s32 s10, $0x1;
	s10 =	sld [smem:$0x3FB7];
	_ =	sdelay $0x3  }
0x37: {  	[smem:$0x3FB7] =	sst s10  }
0x38: {  	s10 =	sld [smem:$0x3FB8]  }
0x39: {  	_ = 	snop;
	(pc) =	sbr.ind lr, $3  }
0x3a: {  	_ = 	snop  }
0x3b: {  	_ = 	snop  }
0x3c: {  	p2 =	seq.s32 s10, $0x1;
	s10 =	sld [smem:$0x3FB7]  }
0x3d: {  	_ =	shalt  }
0x3e: {  	_ =	shalt  }
0x3f: {  	_ =	shalt  }
0x40: {  	_ =	shalt  }
0x41: {  	_ =	shalt  }
0x42: {  	_ =	shalt  }
0x43: {  	_ =	shalt  }
0x44: {  	_ =	shalt  }
0x45: {  	_ =	shalt  }
0x46: {  	_ =	shalt  }
0x47: {  	_ =	shalt  }
0x48: {  	_ =	shalt  }
0x49: {  	_ =	shalt  }
0x4a: {  	_ =	shalt  }
0x4b: {  	_ =	shalt  }
0x4c: {  	_ =	shalt  }
0x4d: {  	_ =	shalt  }
0x4e: {  	_ =	shalt  }
0x4f: {  	_ =	shalt  }
0x50: {  	_ =	shalt  }
0x51: {  	_ =	shalt  }
0x52: {  	_ =	shalt  }
0x53: {  	_ =	shalt  }
0x54: {  	_ =	shalt  }
0x55: {  	_ =	shalt  }
0x56: {  	_ =	shalt  }
0x57: {  	_ =	shalt  }
0x58: {  	_ =	shalt  }
0x59: {  	_ =	shalt  }
0x5a: {  	_ =	shalt  }
0x5b: {  	_ =	shalt  }
0x5c: {  	_ =	shalt  }
0x5d: {  	_ =	shalt  }
0x5e: {  	_ =	shalt  }
0x5f: {  	_ =	shalt  }
0x60: {  	_ =	shalt  }
0x61: {  	_ =	shalt  }
0x62: {  	_ =	shalt  }
0x63: {  	_ =	shalt  }
0x64: {  	_ =	shalt  }
0x65: {  	_ =	shalt  }
0x66: {  	_ =	shalt  }
0x67: {  	_ =	shalt  }
0x68: {  	_ =	shalt  }
0x69: {  	_ =	shalt  }
0x6a: {  	_ =	shalt  }
0x6b: {  	_ =	shalt  }
0x6c: {  	_ =	shalt  }
0x6d: {  	_ =	shalt  }
0x6e: {  	_ =	shalt  }
0x6f: {  	_ =	shalt  }
0x70: {  	_ =	shalt  }
0x71: {  	_ =	shalt  }
0x72: {  	_ =	shalt  }
0x73: {  	_ =	shalt  }
0x74: {  	_ =	shalt  }
0x75: {  	_ =	shalt  }
0x76: {  	_ =	shalt  }
0x77: {  	_ =	shalt  }
0x78: {  	_ =	shalt  }
0x79: {  	_ =	shalt  }
0x7a: {  	_ =	shalt  }
0x7b: {  	_ =	shalt  }
0x7c: {  	_ =	shalt  }
0x7d: {  	_ =	shalt  }
0x7e: {  	_ =	shalt  }
0x7f: {  	_ =	shalt  }
0x80: {  	_ =	shalt  }
0x81: {  	_ =	shalt  }
0x82: {  	_ =	shalt  }
0x83: {  	_ =	shalt  }
0x84: {  	_ =	shalt  }
0x85: {  	_ =	shalt  }
0x86: {  	_ =	shalt  }
0x87: {  	_ =	shalt  }
.Lfunc_end0:
.L_simem_size_0:
called_computation_lowered:
.L_overlay_start_0:
0x88: {  	s2 =	sld [smem:$0x3FD9]  }
0x89: {  	s3 =	sld [smem:$0x3FFE];
	_ =	sdelay $0x1  }
0x8a: {  	s1 =	srdreg.scid  }
0x8b: {  	s0 =	sand.u32 $0x1, s1  }
0x8c: {  	s17 =	sshll.u32 s0, $0xA;
	s2 =	sadd.s32 s3, s2  }
0x8d: {  	s2 =	sadd.s32 s2, s17  }
0x8e: {  	[smem:$0x3FC3] =	sst s2  }
0x8f: {  	_ = 	snop  }
0x90: {  	s2 =	sld [smem:$0x3FC8]  }
0x91: {  	s18 =	sld [smem:$0x3FC7];
	(tm) =	ssettm $0x1  }
0x92: {  	s4 =	sld [smem:$0x3FFB];
	_ =	sdelay $0x3  }
0x93: {  	_ =	strace s4  }
0x94: {  	s4 =	sld [smem:$0x3FFC];
	_ =	sdelay $0x3  }
0x95: {  	_ =	strace s4  }
0x96: {  	s4 =	sld [smem:$0x3FFD];
	_ =	sdelay $0x3  }
0x97: {  	_ =	strace s4  }
0x98: {  	_ =	strace $0x8FFFFFFF  }
0x99: {  	s19 =	sld [smem:$0x3FDB];
	_ =	sdelay $0x1  }
0x9a: {  	s5 =	simm.s32 $_scs_section_size  }
0x9b: {  	s6 =	simm.s32 $_size__tile_overlayer_lowered;
	s7 =	simm.s32 $_tile_overlayer_lowered  }
0x9c: {  	s22 =	simm.s32 $0x1BFF;
	s21 =	sshll.u32 s7, $0x1;
	s4 =	sadd.s32 s5, s19  }
0x9d: {  	s8 =	simm.s32 $0x0;
	s20 =	sshll.u32 s6, $0x1;
	s6 =	sadd.s32 s21, s4  }
0x9e: {  	[timem:s8], [sflag:s22] =	dma.local [hbm:s6], s20  }
0x9f: {  	_ =	swait.ge [sflag:s22], s20  }
0xa0: {  	s5 =	ssub.s32 $0x0, s20;
	[sflag:s22] =	ssyncset.done $0x0  }
0xa1: {  	[sflag:s22] =	ssyncadd.s32 s5;
	_ =	sdelay $0x1  }
0xa2: {  	s23 =	simm.s32 $0x1B8B  }
0xa3: {  	_ =	swait.ge [sflag:s23], $0x1  }
0xa4: {  	[sflag:s23] =	ssyncset.done $0x0  }
0xa5: {  	s25 =	simm.s32 $0x1B8E;
	s24 =	sld [smem:$0x3FFE];
	[sflag:s23] =	ssyncadd.s32 $0xFFFFFFFF  }
0xa6: {  	s26 =	simm.s32 $execute0_lowered;
	[smem:$0x3FD2] =	sst s25  }
0xa7: {  	s6 =	sshll.u32 s26, $0x1;
	_ =	strace $0x80000046;
	[dreg:$0x1] =	wrdreg $0xFFFFFFFF  }
0xa8: {  	s28 =	simm.s32 $_size_execute0_lowered;
	s4 =	sadd.s32 s4, s6;
	[dreg:$0x0] =	wrdreg $0x0  }
0xa9: {  	s6 =	sshll.u32 s28, $0x1;
	[dreg:$0x2] =	wrdreg s4  }
0xaa: {  	[dreg:$0x3] =	wrdreg s6  }
0xab: {  	[dreg:$0x4] =	wrdreg $0xC0  }
0xac: {  	_ =	task [dreg:s8], $0x5FFFF  }
0xad: {  	[dreg:$0x1] =	wrdreg $0xFFFFFFFF  }
0xae: {  	[dreg:$0x0] =	wrdreg $0x60  }
0xaf: {  	[dreg:$0x2] =	wrdreg s2  }
0xb0: {  	[dreg:$0x3] =	wrdreg s18  }
0xb1: {  	[dreg:$0x4] =	wrdreg s24  }
0xb2: {  	[dreg:$0x5] =	wrdreg $0x9  }
0xb3: {  	_ =	task.clear_ibuf [dreg:s8], $0x6FFFF;
	_ =	strace $0x90000046  }
0xb4: {  	s29 =	simm.s32 $0x9;
	_ =	strace $0x80000048  }
0xb5: {  	_ =	swait.ge [sflag:s29], $0x1  }
0xb6: {  	[sflag:s29] =	ssyncadd.s32 $0xFFFFFFFF  }
0xb7: {  	_ =	strace $0x90000048  }
0xb8: {  	_ =	sfence  }
0xb9: {  	s30 =	sld [smem:$0x0];
	_ =	sdelay $0x2  }
0xba: {  	s31 =	sshll.u32 s1, $0xD;
	s1 =	sshrl.u32 s1, $0x2  }
0xbb: {  	s3 =	sand.u32 $0x4000, s31;
	s1 =	sadd.s32 s1, s30  }
0xbc: {  	s0 =	sor.u32 s3, s0;
	s1 =	sshll.u32 s1, $0x11  }
0xbd: {  	s0 =	sor.u32 s1, s0  }
0xbe: {  	s0 =	sadd.s32 $0x8F2B, s0  }
0xbf: {  	[sflag:s0] =	ssyncadd.remote.s32 $0x1  }
0xc0: {  	_ =	sfence.sel $0xFFFF  }
0xc1: {  	[dreg:$0x0] =	wrdreg $0xFFFFFFFF;
	(pc) =	sbr.abs _section_cstart, $3  }
0xc2: {  	[dreg:$0x1] =	wrdreg $0xFFFFFFFF  }
0xc3: {  	_ =	task.clear_ibuf [dreg:s8], $0x2FFFF;
	_ =	strace $0x9FFFFFFF  }
0xc4: {  	(tm) =	ssettm $0x7FFFFFFF  }
0xc5: {  	_ =	shalt  }
tec
execute0_lowered:
.L_overlay_start_1:
0x0: {  	(tag) =	ssettag $0x1  }
0x1: {  	s3 =	rddreg [dreg:$0x0]  }
0x2: {  	s1 =	srdreg.scid;
	s4 =	rddreg [dreg:$0x1]  }
0x3: {  	s0 =	stileid.u32;
	s6 =	rddreg [dreg:$0x2];
	s11 =	simm.s32 $0x400  }
0x4: {  	s12 =	simm.s32 $0x0;
	s5 =	sand.u32 $0x1, s1;
	s29 =	sshll.u32 s0, $0x1  }
0x5: {  	s2 =	sshrl.u32 s0, $0x2;
	s1 =	rddreg [dreg:$0x3];
	p0 =	sgt.u32 s0, $0xD  }
0x6: {  	s7 =	sor.u32 s5, s29;
	s8 =	smul.u32 $0x13C00, s2;
	s2 =	simm.s32 $0x0  }
0x7: {  	s5 =	ssub.s32 $0x2, s5;
	s9 =	sshll.u32 s7, $0x7;
	s10 =	smul.u32 $0x4E, s7  }
0x8: {  	[smem:$0x7FF] =	sst s2;
	s7 =	smax.u32 s7, $0x1C;
	s9 =	sand.u32 $0x380, s9  }
0x9: {  	s30 =	sshrl.u32 s5, $0x1;
	_ =	strace $0x80000047;
	s8 =	sor.u32 s8, s9  }
0xa: {  	s7 =	sadd.s32 s10, s7;
	s9 =	simm.s32 $0x7680;
	s8 =	sshrl.u32 s8, $0x3  }
0xb: {  	s10 =	simm.s32 $0x80;
	s7 =	sadd.s32 $0xFFFFFFE4, s7;
	s6 =	sadd.s32 s8, s6  }
0xc: {  	s31 =	sshll.u32 s7, $0x5;
	s7 =	sshll.u32 s7, $0x4;
	s8 =	ssub.s32 s5, s30  }
0xd: {  	s3 =	sadd.s32 s3, s31;
	s4 =	sadd.s32 s4, s7;
	s5 =	sadd.s32 $0x1400, s6  }
0xe: {  	v0 =	vimm.f32 $0.0e+00;
	s6 =	smax.u32 s8, $0x1;
	s7 =	simm.s32 $0x1;
	s8 =	simm.s32 $0x4F00  }
.LBB2_1:
0xf: {  	[tilespmem:s2], [sflag:$0x1] =	stream.linear.gather [hbm4b:s3+s2], $0x4F00, $0x38;
	[tilespmem:$0x9E00] =	vst v63  }
0x10: {  	_ =	swait.ge [sflag:s7], $0x4F00  }
0x11: {  	[sflag:s7] =	ssyncset.done $0x0  }
0x12: {  	[sflag:s7] =	ssyncadd.s32 $0xFFFFB100  }
0x13: {  	[tilespmem:s8], [sflag:$0x1] =	stream.linear.gather [hbm4b:s4+s2], $0x2780, $0x38;
	[tilespmem:$0x9E00] =	vst v63  }
0x14: {  	_ =	swait.ge [sflag:s7], $0x2780  }
0x15: {  	[sflag:s7] =	ssyncset.done $0x0  }
0x16: {  	v1 =	vimm.f32 @!p0 $0.0e+00;
	[sflag:s7] =	ssyncadd.s32 $0xFFFFD880  }
0x17: {  	[tilespmem:$0x7600] =	vst @!p0 v1  }
0x18: {  	[tilespmem:$0x7610] =	vst @!p0 v1  }
0x19: {  	[tilespmem:$0x7620] =	vst @!p0 v1  }
0x1a: {  	[tilespmem:$0x7630] =	vst @!p0 v1  }
0x1b: {  	[tilespmem:$0x7640] =	vst @!p0 v1  }
0x1c: {  	[tilespmem:$0x7650] =	vst @!p0 v1  }
0x1d: {  	[tilespmem:$0x7660] =	vst @!p0 v1  }
0x1e: {  	s14 =	simm.s32 $0x140;
	s13 =	simm.s32 $0x0;
	[tilespmem:$0x7670] =	vst @!p0 v1  }
.LBB2_2:
0x1f: {  	p1 =	sne.s32 s14, $0x9B00;
	[tilespmem:s13+$0x76C0] =	vst v0;
	s15 =	smov.u32 s14;
	s14 =	sadd.s32 $0x140, s14  }
.Ltmp0:
0x20: {  	[tilespmem:s13+$0x76B0] =	vst v0;
	(pc) =	sbr.rel @p1 .LBB2_2-.Ltmp0, $4  }
0x21: {  	[tilespmem:s13+$0x76A0] =	vst v0  }
0x22: {  	[tilespmem:s13+$0x7680] =	vst v0  }
0x23: {  	[tilespmem:s13+$0x7690] =	vst v0  }
0x24: {  	s13 =	sshra.s32 s15, $0x2  }
0x25: {  	[tilespmem:s13+$0x76C0] =	vst v0  }
0x26: {  	[tilespmem:s13+$0x76B0] =	vst v0  }
0x27: {  	[tilespmem:s13+$0x76A0] =	vst v0  }
0x28: {  	[tilespmem:s13+$0x7680] =	vst v0  }
0x29: {  	[tilespmem:s13+$0x7690] =	vst v0;
	s13 =	simm.s32 $0x0;
	s14 =	simm.s32 $0x4F00;
	s15 =	simm.s32 $0x0  }
.LBB2_4:
0x2a: {  	s16 =	sshrl.u32 s13, $0x2  }
0x2b: {  	s17 =	sand.u32 $0x40, s15;
	s16 =	sand.u32 $0x7F00, s16  }
0x2c: {  	s18 =	sor.u32 s17, s16  }
0x2d: {  	v1 =	vld [tilespmem:s18+$0x80];
	_ =	sdelay $0x2  }
0x2e: {  	v2 =	vld [tilespmem:s14+$0x0];
	_ =	sdelay $0x3  }
0x2f: {  	s28 =	sor.u32 $0x10, s17  }
0x30: {  	s19 =	sor.u32 s28, s16;
	[tilespmem:v1+s9+$0x0] =	vst.idx.add.f32.msk $0xffff, v2  }
0x31: {  	s29 =	sand.u32 $0x3F80, s15;
	v1 =	vld [tilespmem:s19+$0x80]  }
0x32: {  	s19 =	sadd.s32 $0x4F00, s29  }
0x33: {  	s18 =	sor.u32 s28, s19  }
0x34: {  	v2 =	vld [tilespmem:s18+$0x0];
	_ =	sdelay $0x3  }
0x35: {  	s30 =	sor.u32 $0x20, s17  }
0x36: {  	s20 =	sor.u32 s30, s16;
	[tilespmem:v1+s9+$0x0] =	vst.idx.add.f32.msk $0xffff, v2  }
0x37: {  	v1 =	vld [tilespmem:s20+$0x80];
	_ =	sdelay $0x1  }
0x38: {  	s18 =	sor.u32 s30, s19  }
0x39: {  	v2 =	vld [tilespmem:s18+$0x0];
	_ =	sdelay $0x3  }
0x3a: {  	s17 =	sor.u32 $0x30, s17  }
0x3b: {  	s16 =	sor.u32 s17, s16;
	[tilespmem:v1+s9+$0x0] =	vst.idx.add.f32.msk $0xffff, v2  }
0x3c: {  	v1 =	vld [tilespmem:s16+$0x80];
	_ =	sdelay $0x1  }
0x3d: {  	s31 =	sor.u32 s17, s19  }
0x3e: {  	p1 =	sne.s32 s15, $0x2740;
	v2 =	vld [tilespmem:s31+$0x0]  }
.Ltmp1:
0x3f: {  	_ = 	snop;
	(pc) =	sbr.rel @p1 .LBB2_4-.Ltmp1, $2  }
0x40: {  	_ =	sdelay $0x2  }
0x41: {  	s13 =	sadd.s32 $0x200, s13;
	s14 =	sadd.s32 $0x40, s14;
	s15 =	sadd.s32 $0x40, s15;
	[tilespmem:v1+s9+$0x0] =	vst.idx.add.f32.msk $0xffff, v2  }
0x42: {  	s12 =	sadd.s32 $0x1, s12  }
0x43: {  	p1 =	sne.s32 s12, s6  }
.Ltmp2:
0x44: {  	_ = 	snop;
	(pc) =	sbr.rel @p1 .LBB2_1-.Ltmp2, $4  }
0x45: {  	[hbm4b:s5+s10] =	stream.strided.scatter [tilespmem:s9], [sflag:$0x1], $0x2780, s11, s10, $0x38;
	[tilespmem:$0x9E00] =	vst v63  }
0x46: {  	_ =	swait.ge [sflag:s7], $0x2780  }
0x47: {  	[sflag:s7] =	ssyncset.done $0x0  }
0x48: {  	[sflag:s7] =	ssyncadd.s32 $0xFFFFD880  }
0x49: {  	_ =	sfence.sel $0x180000  }
0x4a: {  	[bflag:$0x0] =	sbarrier.arrive $0xFFFF  }
0x4b: {  	p0 =	sne.s32 s0, $0x0;
	_ =	strace $0x90000047  }
0x4c: {  	s0 =	sadd.s32 @!p0 $0x100000, s1;
	[bflag:$0x2] =	sbarrier.arrive $0xFFFF  }
0x4d: {  	[sflag:s0] =	ssyncadd.tile.s32 @!p0 $0x1;
	_ =	shalt  }
.Lfunc_end2:
_tile_overlayer_lowered:
.L_overlay_start_2:
0x4e: {  	(tag) =	ssettag $0x2  }
0x4f: {  	s0 =	rddreg [dreg:$0x0];
	s2 =	stileid.u32  }
0x50: {  	s1 =	rddreg [dreg:$0x1];
	p0 =	sne.s32 s2, $0x0  }
0x51: {  	s3 =	rddreg [dreg:$0x2];
	[bflag:$0x3] =	sbarrier.arrive $0xFFFF;
	s2 =	simm.s32 @!p0 $0x1C01  }
0x52: {  	[timem:s3], [sflag:s2] =	dma.local @!p0 [hbm:s0], s1  }
0x53: {  	s0 =	simm.s32 @!p0 $0x1  }
0x54: {  	_ =	swait.ge @!p0 [sflag:s0], s1  }
0x55: {  	s1 =	ssub.s32 @!p0 $0x0, s1;
	[sflag:s0] =	ssyncset.done @!p0 $0x0  }
0x56: {  	[sflag:s0] =	ssyncadd.s32 @!p0 s1  }
0x57: {  	[bflag:$0x3] =	sbarrier.arrive $0xFFFF  }
0x58: {  	_ =	shalt  }

</sc_bundles>
